<compile_context>
chip_gen: v7x
topology: tpu7x:2x2x1
jax: 0.10.2.dev20260603
libtpu: 0.0.44.dev20260713+nightly
codegen_flags: <defaults>
</compile_context>

<pallas_src>
import functools

import jax
import jax.numpy as jnp
from jax import lax
from jax.experimental import pallas as pl
from jax.experimental.pallas import tpu as pltpu
from jax.experimental.pallas import tpu_sc as plsc

B, N, D, D3 = 1024, 200, 128, 384
H1 = 768
H2 = B - H1
_NC, _NS, _L = 2, 16, 16
NW = _NC * _NS
BPW2 = H2 // NW
BB = 32



def _sc_gather_body(idx_c_hbm, idx_a_hbm, idx_t_hbm,
                    emb_c_hbm, emb_a_hbm, emb_t_hbm, fe_hbm,
                    idx_c_v, idx_a_v, idx_t_v, rows_c, rows_a, rows_t,
                    gsem, osem):
    wid = lax.axis_index("s") * _NC + lax.axis_index("c")
    base = H1 + wid * BPW2

    pltpu.sync_copy(idx_c_hbm.at[pl.ds(base, BPW2)], idx_c_v)
    pltpu.sync_copy(idx_a_hbm.at[pl.ds(base, BPW2)], idx_a_v)
    pltpu.sync_copy(idx_t_hbm.at[pl.ds(base, BPW2)], idx_t_v)

    c_c = pltpu.async_copy(emb_c_hbm.at[idx_c_v], rows_c, gsem)
    c_a = pltpu.async_copy(emb_a_hbm.at[idx_a_v], rows_a, gsem)
    c_t = pltpu.async_copy(emb_t_hbm.at[idx_t_v], rows_t, gsem)
    c_c.wait()
    c_a.wait()
    c_t.wait()

    out_base = wid * BPW2
    w_c = pltpu.async_copy(rows_c, fe_hbm.at[pl.ds(out_base, BPW2), pl.ds(0, D)], osem)
    w_a = pltpu.async_copy(rows_a, fe_hbm.at[pl.ds(out_base, BPW2), pl.ds(D, D)], osem)
    w_t = pltpu.async_copy(rows_t, fe_hbm.at[pl.ds(out_base, BPW2), pl.ds(2 * D, D)], osem)
    w_c.wait()
    w_a.wait()
    w_t.wait()


def _sc_gather(idx_C, idx_A, idx_T, emb_C, emb_A, emb_T):
    mesh = plsc.VectorSubcoreMesh(core_axis_name="c", subcore_axis_name="s",
                                  num_cores=_NC, num_subcores=_NS)
    run = functools.partial(
        pl.kernel,
        mesh=mesh,
        out_type=jax.ShapeDtypeStruct((H2, D3), jnp.float32),
        scratch_types=[
            pltpu.VMEM((BPW2,), jnp.int32),
            pltpu.VMEM((BPW2,), jnp.int32),
            pltpu.VMEM((BPW2,), jnp.int32),
            pltpu.VMEM((BPW2, D), jnp.float32),
            pltpu.VMEM((BPW2, D), jnp.float32),
            pltpu.VMEM((BPW2, D), jnp.float32),
            pltpu.SemaphoreType.DMA,
            pltpu.SemaphoreType.DMA,
        ],
    )(_sc_gather_body)
    return run(idx_C, idx_A, idx_T, emb_C, emb_A, emb_T)



def _tc1_kernel(idx_c_ref, idx_a_ref, idx_t_ref,
                emb_c_ref, emb_a_ref, emb_t_ref, out_ref):
    i = pl.program_id(0)
    b0 = i * BB
    for j in range(BB):
        c = idx_c_ref[b0 + j]
        a = idx_a_ref[b0 + j]
        t = idx_t_ref[b0 + j]
        row = jnp.concatenate([
            emb_c_ref[pl.ds(c, 1), :],
            emb_a_ref[pl.ds(a, 1), :],
            emb_t_ref[pl.ds(t, 1), :],
        ], axis=-1)
        out_ref[j, :, :] = jnp.broadcast_to(row, (N, D3))


def _tc_stage1(idx_C, idx_A, idx_T, emb_C, emb_A, emb_T):
    return pl.pallas_call(
        _tc1_kernel,
        grid_spec=pltpu.PrefetchScalarGridSpec(
            num_scalar_prefetch=3,
            grid=(H1 // BB,),
            in_specs=[
                pl.BlockSpec(emb_C.shape, lambda i, *_: (0, 0)),
                pl.BlockSpec(emb_A.shape, lambda i, *_: (0, 0)),
                pl.BlockSpec(emb_T.shape, lambda i, *_: (0, 0)),
            ],
            out_specs=pl.BlockSpec((BB, N, D3), lambda i, *_: (i, 0, 0)),
        ),
        out_shape=jax.ShapeDtypeStruct((B, N, D3), jnp.float32),
    )(idx_C, idx_A, idx_T, emb_C, emb_A, emb_T)



def _tc2_kernel(fe_ref, _aliased_ref, out_ref):
    fe = fe_ref[...].reshape(BB, 1, D3)
    out_ref[...] = jnp.broadcast_to(fe, (BB, N, D3))


def _tc_stage2(fold_emb2, out1):
    return pl.pallas_call(
        _tc2_kernel,
        grid=(H2 // BB,),
        in_specs=[
            pl.BlockSpec((BB, D3), lambda i: (i, 0)),
            pl.BlockSpec(memory_space=pltpu.MemorySpace.HBM),
        ],
        out_specs=pl.BlockSpec((BB, N, D3), lambda i: (i + H1 // BB, 0, 0)),
        out_shape=jax.ShapeDtypeStruct((B, N, D3), jnp.float32),
        input_output_aliases={1: 0},
    )(fold_emb2, out1)


def kernel(x_t, idx_C, idx_A, idx_T, emb_C, emb_A, emb_T):
    ic = idx_C.astype(jnp.int32)
    ia = idx_A.astype(jnp.int32)
    it = idx_T.astype(jnp.int32)
    out1 = _tc_stage1(ic, ia, it, emb_C, emb_A, emb_T)
    fe2 = _sc_gather(ic, ia, it, emb_C, emb_A, emb_T)
    return _tc_stage2(fe2, out1)

# --- scband reference (transcript-rebuilt; emitter-appended) ---
"""Pipeline reference for scband-fold-embedding-seq-feat-30588757082295 (READ-ONLY COPY).

The authoritative reference and input builder live on the scoring server;
editing this copy changes nothing except your own understanding.
"""

import jax, jax.numpy as jnp
import numpy as np

B = 1024
N = 200
D = 128  # fold_emb_dim
NC, NA, NT = 5, 43, 1515  # CATH class counts; tables have +1 row for unknown


def setup_inputs(seed: int = 0) -> dict:
    key = jax.random.key(seed)
    k1, k2, k3, k4, k5, k6, k7 = jax.random.split(key, 7)
    x_t = jax.random.normal(k1, (B, N, 3), dtype=jnp.float32)
    idx_C = jax.random.randint(k2, (B,), 0, NC + 1, dtype=jnp.int64 if jax.config.jax_enable_x64 else jnp.int32)
    idx_A = jax.random.randint(k3, (B,), 0, NA + 1, dtype=jnp.int64 if jax.config.jax_enable_x64 else jnp.int32)
    idx_T = jax.random.randint(k4, (B,), 0, NT + 1, dtype=jnp.int64 if jax.config.jax_enable_x64 else jnp.int32)
    emb_C = jax.random.normal(k5, (NC + 1, D), dtype=jnp.float32)
    emb_A = jax.random.normal(k6, (NA + 1, D), dtype=jnp.float32)
    emb_T = jax.random.normal(k7, (NT + 1, D), dtype=jnp.float32)
    return {"x_t": x_t, "idx_C": idx_C, "idx_A": idx_A, "idx_T": idx_T,
            "emb_C": emb_C, "emb_A": emb_A, "emb_T": emb_T}


def reference(x_t, idx_C, idx_A, idx_T, emb_C, emb_A, emb_T):
    # multilabel_mode == 'sample': one (C, A, T) index triple per protein.
    # fold_emb = cat([emb_C(idx_C), emb_A(idx_A), emb_T(idx_T)], dim=-1)
    bs = x_t.shape[0]
    n = x_t.shape[1]
    fold_emb = jnp.concatenate([
        jnp.take(emb_C, idx_C, axis=0),
        jnp.take(emb_A, idx_A, axis=0),
        jnp.take(emb_T, idx_T, axis=0),
    ], axis=-1)  # [b, 3*D]
    fold_emb = fold_emb[:, None, :]  # [b, 1, 3*D]
    return jnp.broadcast_to(fold_emb, (bs, n, fold_emb.shape[2]))

if __name__ == "__main__":
    import jax
    _d = setup_inputs()
    print(jax.jit(kernel)(*tuple(_d.values())))

</pallas_src>

<mosaic_0001>
#map = affine_map<(d0, d1) -> (0)>
#map1 = affine_map<(d0, d1) -> (0, 0)>
module attributes {stable_mosaic.version = 14 : i64} {
  func.func @_sc_gather_body(%arg0: i32, %arg1: i32, %arg2: memref<1024xi32, #tpu.memory_space<hbm>>, %arg3: memref<1024xi32, #tpu.memory_space<hbm>>, %arg4: memref<1024xi32, #tpu.memory_space<hbm>>, %arg5: memref<6x128xf32, #tpu.memory_space<hbm>>, %arg6: memref<44x128xf32, #tpu.memory_space<hbm>>, %arg7: memref<1516x128xf32, #tpu.memory_space<hbm>>, %arg8: memref<256x384xf32, #tpu.memory_space<hbm>>, %arg9: memref<8xi32, #tpu.memory_space<vmem>>, %arg10: memref<8xi32, #tpu.memory_space<vmem>>, %arg11: memref<8xi32, #tpu.memory_space<vmem>>, %arg12: memref<8x128xf32, #tpu.memory_space<vmem>>, %arg13: memref<8x128xf32, #tpu.memory_space<vmem>>, %arg14: memref<8x128xf32, #tpu.memory_space<vmem>>, %arg15: memref<!tpu.dma_semaphore, #tpu.memory_space<semaphore_mem>>, %arg16: memref<!tpu.dma_semaphore, #tpu.memory_space<semaphore_mem>>) attributes {dimension_semantics = [#tpu.dimension_semantics<core_parallel>, #tpu.dimension_semantics<subcore_parallel>], iteration_bounds = array<i64: 2, 16>, scalar_prefetch = 0 : i64, scratch_operands = 8 : i64, tpu.core_type = #tpu.core_type<sc_vector_subcore>, window_params = [{transform_indices = #map}, {transform_indices = #map}, {transform_indices = #map}, {transform_indices = #map1}, {transform_indices = #map1}, {transform_indices = #map1}, {transform_indices = #map1}]} {
    %mul3A = arith.constant 2 : i32
    %mul3A_0 = arith.muli %arg1, %mul3A : i32
    %add3A = arith.addi %mul3A_0, %arg0 : i32
    %mul3A_1 = arith.constant 8 : i32
    %mul3A_2 = arith.muli %add3A, %mul3A_1 : i32
    %add3A_3 = arith.constant 768 : i32
    %add3A_4 = arith.addi %add3A_3, %mul3A_2 : i32
    "tpu.region"() ({
      %run_scoped3A = tpu.sem_alloc : memref<!tpu.dma_semaphore, #tpu.memory_space<semaphore_mem>>
      %dma_start3A_47 = tpu.memref_slice %arg2[%add3A_4] : memref<1024xi32, #tpu.memory_space<hbm>> -> memref<8xi32, #tpu.memory_space<hbm>>
      %dma_start3A_48 = tpu.memref_slice %arg2[%add3A_4] : memref<1024xi32, #tpu.memory_space<hbm>> -> memref<8xi32, #tpu.memory_space<hbm>>
      tpu.enqueue_dma source(%dma_start3A_48 : memref<8xi32, #tpu.memory_space<hbm>>) target(%arg9 : memref<8xi32, #tpu.memory_space<vmem>>) target_semaphore(%run_scoped3A : memref<!tpu.dma_semaphore, #tpu.memory_space<semaphore_mem>>)
      %dma_wait3A_49 = tpu.memref_slice %arg2[%add3A_4] : memref<1024xi32, #tpu.memory_space<hbm>> -> memref<8xi32, #tpu.memory_space<hbm>>
      %dma_wait3A_50 = tpu.memref_slice %arg2[%add3A_4] : memref<1024xi32, #tpu.memory_space<hbm>> -> memref<8xi32, #tpu.memory_space<hbm>>
      tpu.wait_dma2 semaphore(%run_scoped3A : memref<!tpu.dma_semaphore, #tpu.memory_space<semaphore_mem>>) src(%dma_wait3A_50 : memref<8xi32, #tpu.memory_space<hbm>>) dst(%arg9 : memref<8xi32, #tpu.memory_space<vmem>>)
      tpu.yield
    }) : () -> ()
    "tpu.region"() ({
      %run_scoped3A = tpu.sem_alloc : memref<!tpu.dma_semaphore, #tpu.memory_space<semaphore_mem>>
      %dma_start3A_47 = tpu.memref_slice %arg3[%add3A_4] : memref<1024xi32, #tpu.memory_space<hbm>> -> memref<8xi32, #tpu.memory_space<hbm>>
      %dma_start3A_48 = tpu.memref_slice %arg3[%add3A_4] : memref<1024xi32, #tpu.memory_space<hbm>> -> memref<8xi32, #tpu.memory_space<hbm>>
      tpu.enqueue_dma source(%dma_start3A_48 : memref<8xi32, #tpu.memory_space<hbm>>) target(%arg10 : memref<8xi32, #tpu.memory_space<vmem>>) target_semaphore(%run_scoped3A : memref<!tpu.dma_semaphore, #tpu.memory_space<semaphore_mem>>)
      %dma_wait3A_49 = tpu.memref_slice %arg3[%add3A_4] : memref<1024xi32, #tpu.memory_space<hbm>> -> memref<8xi32, #tpu.memory_space<hbm>>
      %dma_wait3A_50 = tpu.memref_slice %arg3[%add3A_4] : memref<1024xi32, #tpu.memory_space<hbm>> -> memref<8xi32, #tpu.memory_space<hbm>>
      tpu.wait_dma2 semaphore(%run_scoped3A : memref<!tpu.dma_semaphore, #tpu.memory_space<semaphore_mem>>) src(%dma_wait3A_50 : memref<8xi32, #tpu.memory_space<hbm>>) dst(%arg10 : memref<8xi32, #tpu.memory_space<vmem>>)
      tpu.yield
    }) : () -> ()
    "tpu.region"() ({
      %run_scoped3A = tpu.sem_alloc : memref<!tpu.dma_semaphore, #tpu.memory_space<semaphore_mem>>
      %dma_start3A_47 = tpu.memref_slice %arg4[%add3A_4] : memref<1024xi32, #tpu.memory_space<hbm>> -> memref<8xi32, #tpu.memory_space<hbm>>
      %dma_start3A_48 = tpu.memref_slice %arg4[%add3A_4] : memref<1024xi32, #tpu.memory_space<hbm>> -> memref<8xi32, #tpu.memory_space<hbm>>
      tpu.enqueue_dma source(%dma_start3A_48 : memref<8xi32, #tpu.memory_space<hbm>>) target(%arg11 : memref<8xi32, #tpu.memory_space<vmem>>) target_semaphore(%run_scoped3A : memref<!tpu.dma_semaphore, #tpu.memory_space<semaphore_mem>>)
      %dma_wait3A_49 = tpu.memref_slice %arg4[%add3A_4] : memref<1024xi32, #tpu.memory_space<hbm>> -> memref<8xi32, #tpu.memory_space<hbm>>
      %dma_wait3A_50 = tpu.memref_slice %arg4[%add3A_4] : memref<1024xi32, #tpu.memory_space<hbm>> -> memref<8xi32, #tpu.memory_space<hbm>>
      tpu.wait_dma2 semaphore(%run_scoped3A : memref<!tpu.dma_semaphore, #tpu.memory_space<semaphore_mem>>) src(%dma_wait3A_50 : memref<8xi32, #tpu.memory_space<hbm>>) dst(%arg11 : memref<8xi32, #tpu.memory_space<vmem>>)
      tpu.yield
    }) : () -> ()
    %dma_start3A = arith.constant 0 : i32
    %dma_start3A_5 = arith.constant 0 : i32
    %dma_start3A_6 = tpu.memref_slice %arg5[%dma_start3A, %dma_start3A_5] : memref<6x128xf32, #tpu.memory_space<hbm>> -> memref<6x128xf32, #tpu.memory_space<hbm>>
    tpu.enqueue_indirect_dma source(%dma_start3A_6 : memref<6x128xf32, #tpu.memory_space<hbm>>) target(%arg12 : memref<8x128xf32, #tpu.memory_space<vmem>>) offsets(%arg9 : memref<8xi32, #tpu.memory_space<vmem>>) semaphore(%arg15 : memref<!tpu.dma_semaphore, #tpu.memory_space<semaphore_mem>>)
    %dma_start3A_7 = arith.constant 0 : i32
    %dma_start3A_8 = arith.constant 0 : i32
    %dma_start3A_9 = tpu.memref_slice %arg6[%dma_start3A_7, %dma_start3A_8] : memref<44x128xf32, #tpu.memory_space<hbm>> -> memref<44x128xf32, #tpu.memory_space<hbm>>
    tpu.enqueue_indirect_dma source(%dma_start3A_9 : memref<44x128xf32, #tpu.memory_space<hbm>>) target(%arg13 : memref<8x128xf32, #tpu.memory_space<vmem>>) offsets(%arg10 : memref<8xi32, #tpu.memory_space<vmem>>) semaphore(%arg15 : memref<!tpu.dma_semaphore, #tpu.memory_space<semaphore_mem>>)
    %dma_start3A_10 = arith.constant 0 : i32
    %dma_start3A_11 = arith.constant 0 : i32
    %dma_start3A_12 = tpu.memref_slice %arg7[%dma_start3A_10, %dma_start3A_11] : memref<1516x128xf32, #tpu.memory_space<hbm>> -> memref<1516x128xf32, #tpu.memory_space<hbm>>
    tpu.enqueue_indirect_dma source(%dma_start3A_12 : memref<1516x128xf32, #tpu.memory_space<hbm>>) target(%arg14 : memref<8x128xf32, #tpu.memory_space<vmem>>) offsets(%arg11 : memref<8xi32, #tpu.memory_space<vmem>>) semaphore(%arg15 : memref<!tpu.dma_semaphore, #tpu.memory_space<semaphore_mem>>)
    %dma_wait3A = arith.constant 0 : i32
    %dma_wait3A_13 = arith.constant 0 : i32
    %dma_wait3A_14 = tpu.memref_slice %arg5[%dma_wait3A, %dma_wait3A_13] : memref<6x128xf32, #tpu.memory_space<hbm>> -> memref<6x128xf32, #tpu.memory_space<hbm>>
    tpu.wait_indirect_dma semaphore(%arg15 : memref<!tpu.dma_semaphore, #tpu.memory_space<semaphore_mem>>) src(%dma_wait3A_14 : memref<6x128xf32, #tpu.memory_space<hbm>>) dst(%arg12 : memref<8x128xf32, #tpu.memory_space<vmem>>)
    %dma_wait3A_15 = arith.constant 0 : i32
    %dma_wait3A_16 = arith.constant 0 : i32
    %dma_wait3A_17 = tpu.memref_slice %arg6[%dma_wait3A_15, %dma_wait3A_16] : memref<44x128xf32, #tpu.memory_space<hbm>> -> memref<44x128xf32, #tpu.memory_space<hbm>>
    tpu.wait_indirect_dma semaphore(%arg15 : memref<!tpu.dma_semaphore, #tpu.memory_space<semaphore_mem>>) src(%dma_wait3A_17 : memref<44x128xf32, #tpu.memory_space<hbm>>) dst(%arg13 : memref<8x128xf32, #tpu.memory_space<vmem>>)
    %dma_wait3A_18 = arith.constant 0 : i32
    %dma_wait3A_19 = arith.constant 0 : i32
    %dma_wait3A_20 = tpu.memref_slice %arg7[%dma_wait3A_18, %dma_wait3A_19] : memref<1516x128xf32, #tpu.memory_space<hbm>> -> memref<1516x128xf32, #tpu.memory_space<hbm>>
    tpu.wait_indirect_dma semaphore(%arg15 : memref<!tpu.dma_semaphore, #tpu.memory_space<semaphore_mem>>) src(%dma_wait3A_20 : memref<1516x128xf32, #tpu.memory_space<hbm>>) dst(%arg14 : memref<8x128xf32, #tpu.memory_space<vmem>>)
    %mul3A_21 = arith.constant 8 : i32
    %mul3A_22 = arith.muli %add3A, %mul3A_21 : i32
    %dma_start3A_23 = arith.constant 0 : i32
    %dma_start3A_24 = tpu.memref_slice %arg8[%mul3A_22, %dma_start3A_23] : memref<256x384xf32, #tpu.memory_space<hbm>> -> memref<8x128xf32, #tpu.memory_space<hbm>>
    %dma_start3A_25 = arith.constant 0 : i32
    %dma_start3A_26 = tpu.memref_slice %arg8[%mul3A_22, %dma_start3A_25] : memref<256x384xf32, #tpu.memory_space<hbm>> -> memref<8x128xf32, #tpu.memory_space<hbm>>
    tpu.enqueue_dma source(%arg12 : memref<8x128xf32, #tpu.memory_space<vmem>>) target(%dma_start3A_26 : memref<8x128xf32, #tpu.memory_space<hbm>>) target_semaphore(%arg16 : memref<!tpu.dma_semaphore, #tpu.memory_space<semaphore_mem>>)
    %dma_start3A_27 = arith.constant 128 : i32
    %dma_start3A_28 = tpu.memref_slice %arg8[%mul3A_22, %dma_start3A_27] : memref<256x384xf32, #tpu.memory_space<hbm>> -> memref<8x128xf32, #tpu.memory_space<hbm>>
    %dma_start3A_29 = arith.constant 128 : i32
    %dma_start3A_30 = tpu.memref_slice %arg8[%mul3A_22, %dma_start3A_29] : memref<256x384xf32, #tpu.memory_space<hbm>> -> memref<8x128xf32, #tpu.memory_space<hbm>>
    tpu.enqueue_dma source(%arg13 : memref<8x128xf32, #tpu.memory_space<vmem>>) target(%dma_start3A_30 : memref<8x128xf32, #tpu.memory_space<hbm>>) target_semaphore(%arg16 : memref<!tpu.dma_semaphore, #tpu.memory_space<semaphore_mem>>)
    %dma_start3A_31 = arith.constant 256 : i32
    %dma_start3A_32 = tpu.memref_slice %arg8[%mul3A_22, %dma_start3A_31] : memref<256x384xf32, #tpu.memory_space<hbm>> -> memref<8x128xf32, #tpu.memory_space<hbm>>
    %dma_start3A_33 = arith.constant 256 : i32
    %dma_start3A_34 = tpu.memref_slice %arg8[%mul3A_22, %dma_start3A_33] : memref<256x384xf32, #tpu.memory_space<hbm>> -> memref<8x128xf32, #tpu.memory_space<hbm>>
    tpu.enqueue_dma source(%arg14 : memref<8x128xf32, #tpu.memory_space<vmem>>) target(%dma_start3A_34 : memref<8x128xf32, #tpu.memory_space<hbm>>) target_semaphore(%arg16 : memref<!tpu.dma_semaphore, #tpu.memory_space<semaphore_mem>>)
    %dma_wait3A_35 = arith.constant 0 : i32
    %dma_wait3A_36 = tpu.memref_slice %arg8[%mul3A_22, %dma_wait3A_35] : memref<256x384xf32, #tpu.memory_space<hbm>> -> memref<8x128xf32, #tpu.memory_space<hbm>>
    %dma_wait3A_37 = arith.constant 0 : i32
    %dma_wait3A_38 = tpu.memref_slice %arg8[%mul3A_22, %dma_wait3A_37] : memref<256x384xf32, #tpu.memory_space<hbm>> -> memref<8x128xf32, #tpu.memory_space<hbm>>
    tpu.wait_dma2 semaphore(%arg16 : memref<!tpu.dma_semaphore, #tpu.memory_space<semaphore_mem>>) src(%arg12 : memref<8x128xf32, #tpu.memory_space<vmem>>) dst(%dma_wait3A_38 : memref<8x128xf32, #tpu.memory_space<hbm>>)
    %dma_wait3A_39 = arith.constant 128 : i32
    %dma_wait3A_40 = tpu.memref_slice %arg8[%mul3A_22, %dma_wait3A_39] : memref<256x384xf32, #tpu.memory_space<hbm>> -> memref<8x128xf32, #tpu.memory_space<hbm>>
    %dma_wait3A_41 = arith.constant 128 : i32
    %dma_wait3A_42 = tpu.memref_slice %arg8[%mul3A_22, %dma_wait3A_41] : memref<256x384xf32, #tpu.memory_space<hbm>> -> memref<8x128xf32, #tpu.memory_space<hbm>>
    tpu.wait_dma2 semaphore(%arg16 : memref<!tpu.dma_semaphore, #tpu.memory_space<semaphore_mem>>) src(%arg13 : memref<8x128xf32, #tpu.memory_space<vmem>>) dst(%dma_wait3A_42 : memref<8x128xf32, #tpu.memory_space<hbm>>)
    %dma_wait3A_43 = arith.constant 256 : i32
    %dma_wait3A_44 = tpu.memref_slice %arg8[%mul3A_22, %dma_wait3A_43] : memref<256x384xf32, #tpu.memory_space<hbm>> -> memref<8x128xf32, #tpu.memory_space<hbm>>
    %dma_wait3A_45 = arith.constant 256 : i32
    %dma_wait3A_46 = tpu.memref_slice %arg8[%mul3A_22, %dma_wait3A_45] : memref<256x384xf32, #tpu.memory_space<hbm>> -> memref<8x128xf32, #tpu.memory_space<hbm>>
    tpu.wait_dma2 semaphore(%arg16 : memref<!tpu.dma_semaphore, #tpu.memory_space<semaphore_mem>>) src(%arg14 : memref<8x128xf32, #tpu.memory_space<vmem>>) dst(%dma_wait3A_46 : memref<8x128xf32, #tpu.memory_space<hbm>>)
    return
  }
}

module attributes {stable_mosaic.version = 14 : i64} {
  func.func @_tc2_kernel(%arg0: i32, %arg1: memref<32x384xf32, #tpu.memory_space<vmem>>, %arg2: memref<1024x200x384xf32, #tpu.memory_space<hbm>>, %arg3: memref<32x200x384xf32, #tpu.memory_space<vmem>>) attributes {dimension_semantics = [#tpu.dimension_semantics<arbitrary>], iteration_bounds = array<i64: 8>, scalar_prefetch = 0 : i64, scratch_operands = 0 : i64, tpu.core_type = #tpu.core_type<tc>, window_params = [{transform_indices = @transform_0, window_bounds = array<i64: 32, 384>}, {}, {transform_indices = @transform_2, window_bounds = array<i64: 32, 200, 384>}]} {
    %get3A = arith.constant 0 : index
    %get3A_0 = arith.constant 0 : index
    %get3A_1 = vector.load %arg1[%get3A, %get3A_0] : memref<32x384xf32, #tpu.memory_space<vmem>>, vector<32x384xf32>
    %reshape3A = vector.shape_cast %get3A_1 : vector<32x384xf32> to vector<32x1x384xf32>
    %broadcast_in_dim3A = vector.shape_cast %reshape3A : vector<32x1x384xf32> to vector<32x1x384xf32>
    %broadcast_in_dim3A_2 = vector.broadcast %broadcast_in_dim3A : vector<32x1x384xf32> to vector<32x200x384xf32>
    %swap3A = arith.constant 0 : index
    %swap3A_3 = arith.constant 0 : index
    %swap3A_4 = arith.constant 0 : index
    %swap3A_5 = vector.load %arg3[%swap3A, %swap3A_3, %swap3A_4] : memref<32x200x384xf32, #tpu.memory_space<vmem>>, vector<32x200x384xf32>
    tpu.vector_store %arg3[%swap3A, %swap3A_3, %swap3A_4], %broadcast_in_dim3A_2 {strides = array<i32>} : memref<32x200x384xf32, #tpu.memory_space<vmem>>, vector<32x200x384xf32>,
    return
  }
  func.func @transform_0(%arg0: i32) -> (i32, i32) {
    %c0_i32 = arith.constant 0 : i32
    %c0_i32_0 = arith.constant 0 : i32
    return %arg0, %c0_i32 : i32, i32
  }
  func.func @transform_2(%arg0: i32) -> (i32, i32, i32) {
    %add3A = arith.constant 24 : i32
    %add3A_0 = arith.addi %arg0, %add3A : i32
    %c0_i32 = arith.constant 0 : i32
    %c0_i32_1 = arith.constant 0 : i32
    %c0_i32_2 = arith.constant 0 : i32
    return %add3A_0, %c0_i32, %c0_i32_1 : i32, i32, i32
  }
}

module attributes {stable_mosaic.version = 14 : i64} {
  func.func @_tc1_kernel(%arg0: i32, %arg1: memref<1024xi32, #tpu.memory_space<smem>>, %arg2: memref<1024xi32, #tpu.memory_space<smem>>, %arg3: memref<1024xi32, #tpu.memory_space<smem>>, %arg4: memref<6x128xf32, #tpu.memory_space<vmem>>, %arg5: memref<44x128xf32, #tpu.memory_space<vmem>>, %arg6: memref<1516x128xf32, #tpu.memory_space<vmem>>, %arg7: memref<32x200x384xf32, #tpu.memory_space<vmem>>) attributes {dimension_semantics = [#tpu.dimension_semantics<arbitrary>], iteration_bounds = array<i64: 24>, scalar_prefetch = 3 : i64, scratch_operands = 0 : i64, tpu.core_type = #tpu.core_type<tc>, window_params = [{pipeline_mode = #tpu.pipeline_mode<synchronous>, transform_indices = @transform_0, window_bounds = array<i64: 6, 128>}, {pipeline_mode = #tpu.pipeline_mode<synchronous>, transform_indices = @transform_1, window_bounds = array<i64: 44, 128>}, {pipeline_mode = #tpu.pipeline_mode<synchronous>, transform_indices = @transform_2, window_bounds = array<i64: 1516, 128>}, {transform_indices = @transform_3, window_bounds = array<i64: 32, 200, 384>}]} {
    %mul3A = arith.constant 32 : i32
    %mul3A_0 = arith.muli %arg0, %mul3A : i32
    %add3A = arith.constant 0 : i32
    %add3A_1 = arith.addi %mul3A_0, %add3A : i32
    %get3A = arith.index_cast %add3A_1 : i32 to index
    %get3A_2 = memref.load %arg1[%get3A] : memref<1024xi32, #tpu.memory_space<smem>>
    %add3A_3 = arith.constant 0 : i32
    %add3A_4 = arith.addi %mul3A_0, %add3A_3 : i32
    %get3A_5 = arith.index_cast %add3A_4 : i32 to index
    %get3A_6 = memref.load %arg2[%get3A_5] : memref<1024xi32, #tpu.memory_space<smem>>
    %add3A_7 = arith.constant 0 : i32
    %add3A_8 = arith.addi %mul3A_0, %add3A_7 : i32
    %get3A_9 = arith.index_cast %add3A_8 : i32 to index
    %get3A_10 = memref.load %arg3[%get3A_9] : memref<1024xi32, #tpu.memory_space<smem>>
    %get3A_11 = arith.index_cast %get3A_2 : i32 to index
    %get3A_12 = arith.constant 0 : index
    %get3A_13 = vector.load %arg4[%get3A_11, %get3A_12] : memref<6x128xf32, #tpu.memory_space<vmem>>, vector<1x128xf32>
    %get3A_14 = arith.index_cast %get3A_6 : i32 to index
    %get3A_15 = arith.constant 0 : index
    %get3A_16 = vector.load %arg5[%get3A_14, %get3A_15] : memref<44x128xf32, #tpu.memory_space<vmem>>, vector<1x128xf32>
    %get3A_17 = arith.index_cast %get3A_10 : i32 to index
    %get3A_18 = arith.constant 0 : index
    %get3A_19 = vector.load %arg6[%get3A_17, %get3A_18] : memref<1516x128xf32, #tpu.memory_space<vmem>>, vector<1x128xf32>
    %concatenate3A = tpu.concatenate %get3A_13, %get3A_16, %get3A_19 in 1 : vector<1x128xf32>, vector<1x128xf32>, vector<1x128xf32> -> vector<1x384xf32>
    %broadcast_in_dim3A = vector.shape_cast %concatenate3A : vector<1x384xf32> to vector<1x384xf32>
    %broadcast_in_dim3A_20 = vector.broadcast %broadcast_in_dim3A : vector<1x384xf32> to vector<200x384xf32>
    %swap3A = arith.constant 0 : index
    %swap3A_21 = arith.constant 0 : index
    %swap3A_22 = arith.constant 0 : index
    %swap3A_23 = vector.load %arg7[%swap3A, %swap3A_21, %swap3A_22] : memref<32x200x384xf32, #tpu.memory_space<vmem>>, vector<1x200x384xf32>
    %swap3A_24 = vector.shape_cast %swap3A_23 : vector<1x200x384xf32> to vector<200x384xf32>
    %swap3A_25 = vector.shape_cast %broadcast_in_dim3A_20 : vector<200x384xf32> to vector<1x200x384xf32>
    tpu.vector_store %arg7[%swap3A, %swap3A_21, %swap3A_22], %swap3A_25 {strides = array<i32>} : memref<32x200x384xf32, #tpu.memory_space<vmem>>, vector<1x200x384xf32>,
    %add3A_26 = arith.constant 1 : i32
    %add3A_27 = arith.addi %mul3A_0, %add3A_26 : i32
    %get3A_28 = arith.index_cast %add3A_27 : i32 to index
    %get3A_29 = memref.load %arg1[%get3A_28] : memref<1024xi32, #tpu.memory_space<smem>>
    %add3A_30 = arith.constant 1 : i32
    %add3A_31 = arith.addi %mul3A_0, %add3A_30 : i32
    %get3A_32 = arith.index_cast %add3A_31 : i32 to index
    %get3A_33 = memref.load %arg2[%get3A_32] : memref<1024xi32, #tpu.memory_space<smem>>
    %add3A_34 = arith.constant 1 : i32
    %add3A_35 = arith.addi %mul3A_0, %add3A_34 : i32
    %get3A_36 = arith.index_cast %add3A_35 : i32 to index
    %get3A_37 = memref.load %arg3[%get3A_36] : memref<1024xi32, #tpu.memory_space<smem>>
    %get3A_38 = arith.index_cast %get3A_29 : i32 to index
    %get3A_39 = arith.constant 0 : index
    %get3A_40 = vector.load %arg4[%get3A_38, %get3A_39] : memref<6x128xf32, #tpu.memory_space<vmem>>, vector<1x128xf32>
    %get3A_41 = arith.index_cast %get3A_33 : i32 to index
    %get3A_42 = arith.constant 0 : index
    %get3A_43 = vector.load %arg5[%get3A_41, %get3A_42] : memref<44x128xf32, #tpu.memory_space<vmem>>, vector<1x128xf32>
    %get3A_44 = arith.index_cast %get3A_37 : i32 to index
    %get3A_45 = arith.constant 0 : index
    %get3A_46 = vector.load %arg6[%get3A_44, %get3A_45] : memref<1516x128xf32, #tpu.memory_space<vmem>>, vector<1x128xf32>
    %concatenate3A_47 = tpu.concatenate %get3A_40, %get3A_43, %get3A_46 in 1 : vector<1x128xf32>, vector<1x128xf32>, vector<1x128xf32> -> vector<1x384xf32>
    %broadcast_in_dim3A_48 = vector.shape_cast %concatenate3A_47 : vector<1x384xf32> to vector<1x384xf32>
    %broadcast_in_dim3A_49 = vector.broadcast %broadcast_in_dim3A_48 : vector<1x384xf32> to vector<200x384xf32>
    %swap3A_50 = arith.constant 1 : index
    %swap3A_51 = arith.constant 0 : index
    %swap3A_52 = arith.constant 0 : index
    %swap3A_53 = vector.load %arg7[%swap3A_50, %swap3A_51, %swap3A_52] : memref<32x200x384xf32, #tpu.memory_space<vmem>>, vector<1x200x384xf32>
    %swap3A_54 = vector.shape_cast %swap3A_53 : vector<1x200x384xf32> to vector<200x384xf32>
    %swap3A_55 = vector.shape_cast %broadcast_in_dim3A_49 : vector<200x384xf32> to vector<1x200x384xf32>
    tpu.vector_store %arg7[%swap3A_50, %swap3A_51, %swap3A_52], %swap3A_55 {strides = array<i32>} : memref<32x200x384xf32, #tpu.memory_space<vmem>>, vector<1x200x384xf32>,
    %add3A_56 = arith.constant 2 : i32
    %add3A_57 = arith.addi %mul3A_0, %add3A_56 : i32
    %get3A_58 = arith.index_cast %add3A_57 : i32 to index
    %get3A_59 = memref.load %arg1[%get3A_58] : memref<1024xi32, #tpu.memory_space<smem>>
    %add3A_60 = arith.constant 2 : i32
    %add3A_61 = arith.addi %mul3A_0, %add3A_60 : i32
    %get3A_62 = arith.index_cast %add3A_61 : i32 to index
    %get3A_63 = memref.load %arg2[%get3A_62] : memref<1024xi32, #tpu.memory_space<smem>>
    %add3A_64 = arith.constant 2 : i32
    %add3A_65 = arith.addi %mul3A_0, %add3A_64 : i32
    %get3A_66 = arith.index_cast %add3A_65 : i32 to index
    %get3A_67 = memref.load %arg3[%get3A_66] : memref<1024xi32, #tpu.memory_space<smem>>
    %get3A_68 = arith.index_cast %get3A_59 : i32 to index
    %get3A_69 = arith.constant 0 : index
    %get3A_70 = vector.load %arg4[%get3A_68, %get3A_69] : memref<6x128xf32, #tpu.memory_space<vmem>>, vector<1x128xf32>
    %get3A_71 = arith.index_cast %get3A_63 : i32 to index
    %get3A_72 = arith.constant 0 : index
    %get3A_73 = vector.load %arg5[%get3A_71, %get3A_72] : memref<44x128xf32, #tpu.memory_space<vmem>>, vector<1x128xf32>
    %get3A_74 = arith.index_cast %get3A_67 : i32 to index
    %get3A_75 = arith.constant 0 : index
    %get3A_76 = vector.load %arg6[%get3A_74, %get3A_75] : memref<1516x128xf32, #tpu.memory_space<vmem>>, vector<1x128xf32>
    %concatenate3A_77 = tpu.concatenate %get3A_70, %get3A_73, %get3A_76 in 1 : vector<1x128xf32>, vector<1x128xf32>, vector<1x128xf32> -> vector<1x384xf32>
    %broadcast_in_dim3A_78 = vector.shape_cast %concatenate3A_77 : vector<1x384xf32> to vector<1x384xf32>
    %broadcast_in_dim3A_79 = vector.broadcast %broadcast_in_dim3A_78 : vector<1x384xf32> to vector<200x384xf32>
    %swap3A_80 = arith.constant 2 : index
    %swap3A_81 = arith.constant 0 : index
    %swap3A_82 = arith.constant 0 : index
    %swap3A_83 = vector.load %arg7[%swap3A_80, %swap3A_81, %swap3A_82] : memref<32x200x384xf32, #tpu.memory_space<vmem>>, vector<1x200x384xf32>
    %swap3A_84 = vector.shape_cast %swap3A_83 : vector<1x200x384xf32> to vector<200x384xf32>
    %swap3A_85 = vector.shape_cast %broadcast_in_dim3A_79 : vector<200x384xf32> to vector<1x200x384xf32>
    tpu.vector_store %arg7[%swap3A_80, %swap3A_81, %swap3A_82], %swap3A_85 {strides = array<i32>} : memref<32x200x384xf32, #tpu.memory_space<vmem>>, vector<1x200x384xf32>,
    %add3A_86 = arith.constant 3 : i32
    %add3A_87 = arith.addi %mul3A_0, %add3A_86 : i32
    %get3A_88 = arith.index_cast %add3A_87 : i32 to index
    %get3A_89 = memref.load %arg1[%get3A_88] : memref<1024xi32, #tpu.memory_space<smem>>
    %add3A_90 = arith.constant 3 : i32
    %add3A_91 = arith.addi %mul3A_0, %add3A_90 : i32
    %get3A_92 = arith.index_cast %add3A_91 : i32 to index
    %get3A_93 = memref.load %arg2[%get3A_92] : memref<1024xi32, #tpu.memory_space<smem>>
    %add3A_94 = arith.constant 3 : i32
    %add3A_95 = arith.addi %mul3A_0, %add3A_94 : i32
    %get3A_96 = arith.index_cast %add3A_95 : i32 to index
    %get3A_97 = memref.load %arg3[%get3A_96] : memref<1024xi32, #tpu.memory_space<smem>>
    %get3A_98 = arith.index_cast %get3A_89 : i32 to index
    %get3A_99 = arith.constant 0 : index
    %get3A_100 = vector.load %arg4[%get3A_98, %get3A_99] : memref<6x128xf32, #tpu.memory_space<vmem>>, vector<1x128xf32>
    %get3A_101 = arith.index_cast %get3A_93 : i32 to index
    %get3A_102 = arith.constant 0 : index
    %get3A_103 = vector.load %arg5[%get3A_101, %get3A_102] : memref<44x128xf32, #tpu.memory_space<vmem>>, vector<1x128xf32>
    %get3A_104 = arith.index_cast %get3A_97 : i32 to index
    %get3A_105 = arith.constant 0 : index
    %get3A_106 = vector.load %arg6[%get3A_104, %get3A_105] : memref<1516x128xf32, #tpu.memory_space<vmem>>, vector<1x128xf32>
    %concatenate3A_107 = tpu.concatenate %get3A_100, %get3A_103, %get3A_106 in 1 : vector<1x128xf32>, vector<1x128xf32>, vector<1x128xf32> -> vector<1x384xf32>
    %broadcast_in_dim3A_108 = vector.shape_cast %concatenate3A_107 : vector<1x384xf32> to vector<1x384xf32>
    %broadcast_in_dim3A_109 = vector.broadcast %broadcast_in_dim3A_108 : vector<1x384xf32> to vector<200x384xf32>
    %swap3A_110 = arith.constant 3 : index
    %swap3A_111 = arith.constant 0 : index
    %swap3A_112 = arith.constant 0 : index
    %swap3A_113 = vector.load %arg7[%swap3A_110, %swap3A_111, %swap3A_112] : memref<32x200x384xf32, #tpu.memory_space<vmem>>, vector<1x200x384xf32>
    %swap3A_114 = vector.shape_cast %swap3A_113 : vector<1x200x384xf32> to vector<200x384xf32>
    %swap3A_115 = vector.shape_cast %broadcast_in_dim3A_109 : vector<200x384xf32> to vector<1x200x384xf32>
    tpu.vector_store %arg7[%swap3A_110, %swap3A_111, %swap3A_112], %swap3A_115 {strides = array<i32>} : memref<32x200x384xf32, #tpu.memory_space<vmem>>, vector<1x200x384xf32>,
    %add3A_116 = arith.constant 4 : i32
    %add3A_117 = arith.addi %mul3A_0, %add3A_116 : i32
    %get3A_118 = arith.index_cast %add3A_117 : i32 to index
    %get3A_119 = memref.load %arg1[%get3A_118] : memref<1024xi32, #tpu.memory_space<smem>>
    %add3A_120 = arith.constant 4 : i32
    %add3A_121 = arith.addi %mul3A_0, %add3A_120 : i32
    %get3A_122 = arith.index_cast %add3A_121 : i32 to index
    %get3A_123 = memref.load %arg2[%get3A_122] : memref<1024xi32, #tpu.memory_space<smem>>
    %add3A_124 = arith.constant 4 : i32
    %add3A_125 = arith.addi %mul3A_0, %add3A_124 : i32
    %get3A_126 = arith.index_cast %add3A_125 : i32 to index
    %get3A_127 = memref.load %arg3[%get3A_126] : memref<1024xi32, #tpu.memory_space<smem>>
    %get3A_128 = arith.index_cast %get3A_119 : i32 to index
    %get3A_129 = arith.constant 0 : index
    %get3A_130 = vector.load %arg4[%get3A_128, %get3A_129] : memref<6x128xf32, #tpu.memory_space<vmem>>, vector<1x128xf32>
    %get3A_131 = arith.index_cast %get3A_123 : i32 to index
    %get3A_132 = arith.constant 0 : index
    %get3A_133 = vector.load %arg5[%get3A_131, %get3A_132] : memref<44x128xf32, #tpu.memory_space<vmem>>, vector<1x128xf32>
    %get3A_134 = arith.index_cast %get3A_127 : i32 to index
    %get3A_135 = arith.constant 0 : index
    %get3A_136 = vector.load %arg6[%get3A_134, %get3A_135] : memref<1516x128xf32, #tpu.memory_space<vmem>>, vector<1x128xf32>
    %concatenate3A_137 = tpu.concatenate %get3A_130, %get3A_133, %get3A_136 in 1 : vector<1x128xf32>, vector<1x128xf32>, vector<1x128xf32> -> vector<1x384xf32>
    %broadcast_in_dim3A_138 = vector.shape_cast %concatenate3A_137 : vector<1x384xf32> to vector<1x384xf32>
    %broadcast_in_dim3A_139 = vector.broadcast %broadcast_in_dim3A_138 : vector<1x384xf32> to vector<200x384xf32>
    %swap3A_140 = arith.constant 4 : index
    %swap3A_141 = arith.constant 0 : index
    %swap3A_142 = arith.constant 0 : index
    %swap3A_143 = vector.load %arg7[%swap3A_140, %swap3A_141, %swap3A_142] : memref<32x200x384xf32, #tpu.memory_space<vmem>>, vector<1x200x384xf32>
    %swap3A_144 = vector.shape_cast %swap3A_143 : vector<1x200x384xf32> to vector<200x384xf32>
    %swap3A_145 = vector.shape_cast %broadcast_in_dim3A_139 : vector<200x384xf32> to vector<1x200x384xf32>
    tpu.vector_store %arg7[%swap3A_140, %swap3A_141, %swap3A_142], %swap3A_145 {strides = array<i32>} : memref<32x200x384xf32, #tpu.memory_space<vmem>>, vector<1x200x384xf32>,
    %add3A_146 = arith.constant 5 : i32
    %add3A_147 = arith.addi %mul3A_0, %add3A_146 : i32
    %get3A_148 = arith.index_cast %add3A_147 : i32 to index
    %get3A_149 = memref.load %arg1[%get3A_148] : memref<1024xi32, #tpu.memory_space<smem>>
    %add3A_150 = arith.constant 5 : i32
    %add3A_151 = arith.addi %mul3A_0, %add3A_150 : i32
    %get3A_152 = arith.index_cast %add3A_151 : i32 to index
    %get3A_153 = memref.load %arg2[%get3A_152] : memref<1024xi32, #tpu.memory_space<smem>>
    %add3A_154 = arith.constant 5 : i32
    %add3A_155 = arith.addi %mul3A_0, %add3A_154 : i32
    %get3A_156 = arith.index_cast %add3A_155 : i32 to index
    %get3A_157 = memref.load %arg3[%get3A_156] : memref<1024xi32, #tpu.memory_space<smem>>
    %get3A_158 = arith.index_cast %get3A_149 : i32 to index
    %get3A_159 = arith.constant 0 : index
    %get3A_160 = vector.load %arg4[%get3A_158, %get3A_159] : memref<6x128xf32, #tpu.memory_space<vmem>>, vector<1x128xf32>
    %get3A_161 = arith.index_cast %get3A_153 : i32 to index
    %get3A_162 = arith.constant 0 : index
    %get3A_163 = vector.load %arg5[%get3A_161, %get3A_162] : memref<44x128xf32, #tpu.memory_space<vmem>>, vector<1x128xf32>
    %get3A_164 = arith.index_cast %get3A_157 : i32 to index
    %get3A_165 = arith.constant 0 : index
    %get3A_166 = vector.load %arg6[%get3A_164, %get3A_165] : memref<1516x128xf32, #tpu.memory_space<vmem>>, vector<1x128xf32>
    %concatenate3A_167 = tpu.concatenate %get3A_160, %get3A_163, %get3A_166 in 1 : vector<1x128xf32>, vector<1x128xf32>, vector<1x128xf32> -> vector<1x384xf32>
    %broadcast_in_dim3A_168 = vector.shape_cast %concatenate3A_167 : vector<1x384xf32> to vector<1x384xf32>
    %broadcast_in_dim3A_169 = vector.broadcast %broadcast_in_dim3A_168 : vector<1x384xf32> to vector<200x384xf32>
    %swap3A_170 = arith.constant 5 : index
    %swap3A_171 = arith.constant 0 : index
    %swap3A_172 = arith.constant 0 : index
    %swap3A_173 = vector.load %arg7[%swap3A_170, %swap3A_171, %swap3A_172] : memref<32x200x384xf32, #tpu.memory_space<vmem>>, vector<1x200x384xf32>
    %swap3A_174 = vector.shape_cast %swap3A_173 : vector<1x200x384xf32> to vector<200x384xf32>
    %swap3A_175 = vector.shape_cast %broadcast_in_dim3A_169 : vector<200x384xf32> to vector<1x200x384xf32>
    tpu.vector_store %arg7[%swap3A_170, %swap3A_171, %swap3A_172], %swap3A_175 {strides = array<i32>} : memref<32x200x384xf32, #tpu.memory_space<vmem>>, vector<1x200x384xf32>,
    %add3A_176 = arith.constant 6 : i32
    %add3A_177 = arith.addi %mul3A_0, %add3A_176 : i32
    %get3A_178 = arith.index_cast %add3A_177 : i32 to index
    %get3A_179 = memref.load %arg1[%get3A_178] : memref<1024xi32, #tpu.memory_space<smem>>
    %add3A_180 = arith.constant 6 : i32
    %add3A_181 = arith.addi %mul3A_0, %add3A_180 : i32
    %get3A_182 = arith.index_cast %add3A_181 : i32 to index
    %get3A_183 = memref.load %arg2[%get3A_182] : memref<1024xi32, #tpu.memory_space<smem>>
    %add3A_184 = arith.constant 6 : i32
    %add3A_185 = arith.addi %mul3A_0, %add3A_184 : i32
    %get3A_186 = arith.index_cast %add3A_185 : i32 to index
    %get3A_187 = memref.load %arg3[%get3A_186] : memref<1024xi32, #tpu.memory_space<smem>>
    %get3A_188 = arith.index_cast %get3A_179 : i32 to index
    %get3A_189 = arith.constant 0 : index
    %get3A_190 = vector.load %arg4[%get3A_188, %get3A_189] : memref<6x128xf32, #tpu.memory_space<vmem>>, vector<1x128xf32>
    %get3A_191 = arith.index_cast %get3A_183 : i32 to index
    %get3A_192 = arith.constant 0 : index
    %get3A_193 = vector.load %arg5[%get3A_191, %get3A_192] : memref<44x128xf32, #tpu.memory_space<vmem>>, vector<1x128xf32>
    %get3A_194 = arith.index_cast %get3A_187 : i32 to index
    %get3A_195 = arith.constant 0 : index
    %get3A_196 = vector.load %arg6[%get3A_194, %get3A_195] : memref<1516x128xf32, #tpu.memory_space<vmem>>, vector<1x128xf32>
    %concatenate3A_197 = tpu.concatenate %get3A_190, %get3A_193, %get3A_196 in 1 : vector<1x128xf32>, vector<1x128xf32>, vector<1x128xf32> -> vector<1x384xf32>
    %broadcast_in_dim3A_198 = vector.shape_cast %concatenate3A_197 : vector<1x384xf32> to vector<1x384xf32>
    %broadcast_in_dim3A_199 = vector.broadcast %broadcast_in_dim3A_198 : vector<1x384xf32> to vector<200x384xf32>
    %swap3A_200 = arith.constant 6 : index
    %swap3A_201 = arith.constant 0 : index
    %swap3A_202 = arith.constant 0 : index
    %swap3A_203 = vector.load %arg7[%swap3A_200, %swap3A_201, %swap3A_202] : memref<32x200x384xf32, #tpu.memory_space<vmem>>, vector<1x200x384xf32>
    %swap3A_204 = vector.shape_cast %swap3A_203 : vector<1x200x384xf32> to vector<200x384xf32>
    %swap3A_205 = vector.shape_cast %broadcast_in_dim3A_199 : vector<200x384xf32> to vector<1x200x384xf32>
    tpu.vector_store %arg7[%swap3A_200, %swap3A_201, %swap3A_202], %swap3A_205 {strides = array<i32>} : memref<32x200x384xf32, #tpu.memory_space<vmem>>, vector<1x200x384xf32>,
    %add3A_206 = arith.constant 7 : i32
    %add3A_207 = arith.addi %mul3A_0, %add3A_206 : i32
    %get3A_208 = arith.index_cast %add3A_207 : i32 to index
    %get3A_209 = memref.load %arg1[%get3A_208] : memref<1024xi32, #tpu.memory_space<smem>>
    %add3A_210 = arith.constant 7 : i32
    %add3A_211 = arith.addi %mul3A_0, %add3A_210 : i32
    %get3A_212 = arith.index_cast %add3A_211 : i32 to index
    %get3A_213 = memref.load %arg2[%get3A_212] : memref<1024xi32, #tpu.memory_space<smem>>
    %add3A_214 = arith.constant 7 : i32
    %add3A_215 = arith.addi %mul3A_0, %add3A_214 : i32
    %get3A_216 = arith.index_cast %add3A_215 : i32 to index
    %get3A_217 = memref.load %arg3[%get3A_216] : memref<1024xi32, #tpu.memory_space<smem>>
    %get3A_218 = arith.index_cast %get3A_209 : i32 to index
    %get3A_219 = arith.constant 0 : index
    %get3A_220 = vector.load %arg4[%get3A_218, %get3A_219] : memref<6x128xf32, #tpu.memory_space<vmem>>, vector<1x128xf32>
    %get3A_221 = arith.index_cast %get3A_213 : i32 to index
    %get3A_222 = arith.constant 0 : index
    %get3A_223 = vector.load %arg5[%get3A_221, %get3A_222] : memref<44x128xf32, #tpu.memory_space<vmem>>, vector<1x128xf32>
    %get3A_224 = arith.index_cast %get3A_217 : i32 to index
    %get3A_225 = arith.constant 0 : index
    %get3A_226 = vector.load %arg6[%get3A_224, %get3A_225] : memref<1516x128xf32, #tpu.memory_space<vmem>>, vector<1x128xf32>
    %concatenate3A_227 = tpu.concatenate %get3A_220, %get3A_223, %get3A_226 in 1 : vector<1x128xf32>, vector<1x128xf32>, vector<1x128xf32> -> vector<1x384xf32>
    %broadcast_in_dim3A_228 = vector.shape_cast %concatenate3A_227 : vector<1x384xf32> to vector<1x384xf32>
    %broadcast_in_dim3A_229 = vector.broadcast %broadcast_in_dim3A_228 : vector<1x384xf32> to vector<200x384xf32>
    %swap3A_230 = arith.constant 7 : index
    %swap3A_231 = arith.constant 0 : index
    %swap3A_232 = arith.constant 0 : index
    %swap3A_233 = vector.load %arg7[%swap3A_230, %swap3A_231, %swap3A_232] : memref<32x200x384xf32, #tpu.memory_space<vmem>>, vector<1x200x384xf32>
    %swap3A_234 = vector.shape_cast %swap3A_233 : vector<1x200x384xf32> to vector<200x384xf32>
    %swap3A_235 = vector.shape_cast %broadcast_in_dim3A_229 : vector<200x384xf32> to vector<1x200x384xf32>
    tpu.vector_store %arg7[%swap3A_230, %swap3A_231, %swap3A_232], %swap3A_235 {strides = array<i32>} : memref<32x200x384xf32, #tpu.memory_space<vmem>>, vector<1x200x384xf32>,
    %add3A_236 = arith.constant 8 : i32
    %add3A_237 = arith.addi %mul3A_0, %add3A_236 : i32
    %get3A_238 = arith.index_cast %add3A_237 : i32 to index
    %get3A_239 = memref.load %arg1[%get3A_238] : memref<1024xi32, #tpu.memory_space<smem>>
    %add3A_240 = arith.constant 8 : i32
    %add3A_241 = arith.addi %mul3A_0, %add3A_240 : i32
    %get3A_242 = arith.index_cast %add3A_241 : i32 to index
    %get3A_243 = memref.load %arg2[%get3A_242] : memref<1024xi32, #tpu.memory_space<smem>>
    %add3A_244 = arith.constant 8 : i32
    %add3A_245 = arith.addi %mul3A_0, %add3A_244 : i32
    %get3A_246 = arith.index_cast %add3A_245 : i32 to index
    %get3A_247 = memref.load %arg3[%get3A_246] : memref<1024xi32, #tpu.memory_space<smem>>
    %get3A_248 = arith.index_cast %get3A_239 : i32 to index
    %get3A_249 = arith.constant 0 : index
    %get3A_250 = vector.load %arg4[%get3A_248, %get3A_249] : memref<6x128xf32, #tpu.memory_space<vmem>>, vector<1x128xf32>
    %get3A_251 = arith.index_cast %get3A_243 : i32 to index
    %get3A_252 = arith.constant 0 : index
    %get3A_253 = vector.load %arg5[%get3A_251, %get3A_252] : memref<44x128xf32, #tpu.memory_space<vmem>>, vector<1x128xf32>
    %get3A_254 = arith.index_cast %get3A_247 : i32 to index
    %get3A_255 = arith.constant 0 : index
    %get3A_256 = vector.load %arg6[%get3A_254, %get3A_255] : memref<1516x128xf32, #tpu.memory_space<vmem>>, vector<1x128xf32>
    %concatenate3A_257 = tpu.concatenate %get3A_250, %get3A_253, %get3A_256 in 1 : vector<1x128xf32>, vector<1x128xf32>, vector<1x128xf32> -> vector<1x384xf32>
    %broadcast_in_dim3A_258 = vector.shape_cast %concatenate3A_257 : vector<1x384xf32> to vector<1x384xf32>
    %broadcast_in_dim3A_259 = vector.broadcast %broadcast_in_dim3A_258 : vector<1x384xf32> to vector<200x384xf32>
    %swap3A_260 = arith.constant 8 : index
    %swap3A_261 = arith.constant 0 : index
    %swap3A_262 = arith.constant 0 : index
    %swap3A_263 = vector.load %arg7[%swap3A_260, %swap3A_261, %swap3A_262] : memref<32x200x384xf32, #tpu.memory_space<vmem>>, vector<1x200x384xf32>
    %swap3A_264 = vector.shape_cast %swap3A_263 : vector<1x200x384xf32> to vector<200x384xf32>
    %swap3A_265 = vector.shape_cast %broadcast_in_dim3A_259 : vector<200x384xf32> to vector<1x200x384xf32>
    tpu.vector_store %arg7[%swap3A_260, %swap3A_261, %swap3A_262], %swap3A_265 {strides = array<i32>} : memref<32x200x384xf32, #tpu.memory_space<vmem>>, vector<1x200x384xf32>,
    %add3A_266 = arith.constant 9 : i32
    %add3A_267 = arith.addi %mul3A_0, %add3A_266 : i32
    %get3A_268 = arith.index_cast %add3A_267 : i32 to index
    %get3A_269 = memref.load %arg1[%get3A_268] : memref<1024xi32, #tpu.memory_space<smem>>
    %add3A_270 = arith.constant 9 : i32
    %add3A_271 = arith.addi %mul3A_0, %add3A_270 : i32
    %get3A_272 = arith.index_cast %add3A_271 : i32 to index
    %get3A_273 = memref.load %arg2[%get3A_272] : memref<1024xi32, #tpu.memory_space<smem>>
    %add3A_274 = arith.constant 9 : i32
    %add3A_275 = arith.addi %mul3A_0, %add3A_274 : i32
    %get3A_276 = arith.index_cast %add3A_275 : i32 to index
    %get3A_277 = memref.load %arg3[%get3A_276] : memref<1024xi32, #tpu.memory_space<smem>>
    %get3A_278 = arith.index_cast %get3A_269 : i32 to index
    %get3A_279 = arith.constant 0 : index
    %get3A_280 = vector.load %arg4[%get3A_278, %get3A_279] : memref<6x128xf32, #tpu.memory_space<vmem>>, vector<1x128xf32>
    %get3A_281 = arith.index_cast %get3A_273 : i32 to index
    %get3A_282 = arith.constant 0 : index
    %get3A_283 = vector.load %arg5[%get3A_281, %get3A_282] : memref<44x128xf32, #tpu.memory_space<vmem>>, vector<1x128xf32>
    %get3A_284 = arith.index_cast %get3A_277 : i32 to index
    %get3A_285 = arith.constant 0 : index
    %get3A_286 = vector.load %arg6[%get3A_284, %get3A_285] : memref<1516x128xf32, #tpu.memory_space<vmem>>, vector<1x128xf32>
    %concatenate3A_287 = tpu.concatenate %get3A_280, %get3A_283, %get3A_286 in 1 : vector<1x128xf32>, vector<1x128xf32>, vector<1x128xf32> -> vector<1x384xf32>
    %broadcast_in_dim3A_288 = vector.shape_cast %concatenate3A_287 : vector<1x384xf32> to vector<1x384xf32>
    %broadcast_in_dim3A_289 = vector.broadcast %broadcast_in_dim3A_288 : vector<1x384xf32> to vector<200x384xf32>
    %swap3A_290 = arith.constant 9 : index
    %swap3A_291 = arith.constant 0 : index
    %swap3A_292 = arith.constant 0 : index
    %swap3A_293 = vector.load %arg7[%swap3A_290, %swap3A_291, %swap3A_292] : memref<32x200x384xf32, #tpu.memory_space<vmem>>, vector<1x200x384xf32>
    %swap3A_294 = vector.shape_cast %swap3A_293 : vector<1x200x384xf32> to vector<200x384xf32>
    %swap3A_295 = vector.shape_cast %broadcast_in_dim3A_289 : vector<200x384xf32> to vector<1x200x384xf32>
    tpu.vector_store %arg7[%swap3A_290, %swap3A_291, %swap3A_292], %swap3A_295 {strides = array<i32>} : memref<32x200x384xf32, #tpu.memory_space<vmem>>, vector<1x200x384xf32>,
    %add3A_296 = arith.constant 10 : i32
    %add3A_297 = arith.addi %mul3A_0, %add3A_296 : i32
    %get3A_298 = arith.index_cast %add3A_297 : i32 to index
    %get3A_299 = memref.load %arg1[%get3A_298] : memref<1024xi32, #tpu.memory_space<smem>>
    %add3A_300 = arith.constant 10 : i32
    %add3A_301 = arith.addi %mul3A_0, %add3A_300 : i32
    %get3A_302 = arith.index_cast %add3A_301 : i32 to index
    %get3A_303 = memref.load %arg2[%get3A_302] : memref<1024xi32, #tpu.memory_space<smem>>
    %add3A_304 = arith.constant 10 : i32
    %add3A_305 = arith.addi %mul3A_0, %add3A_304 : i32
    %get3A_306 = arith.index_cast %add3A_305 : i32 to index
    %get3A_307 = memref.load %arg3[%get3A_306] : memref<1024xi32, #tpu.memory_space<smem>>
    %get3A_308 = arith.index_cast %get3A_299 : i32 to index
    %get3A_309 = arith.constant 0 : index
    %get3A_310 = vector.load %arg4[%get3A_308, %get3A_309] : memref<6x128xf32, #tpu.memory_space<vmem>>, vector<1x128xf32>
    %get3A_311 = arith.index_cast %get3A_303 : i32 to index
    %get3A_312 = arith.constant 0 : index
    %get3A_313 = vector.load %arg5[%get3A_311, %get3A_312] : memref<44x128xf32, #tpu.memory_space<vmem>>, vector<1x128xf32>
    %get3A_314 = arith.index_cast %get3A_307 : i32 to index
    %get3A_315 = arith.constant 0 : index
    %get3A_316 = vector.load %arg6[%get3A_314, %get3A_315] : memref<1516x128xf32, #tpu.memory_space<vmem>>, vector<1x128xf32>
    %concatenate3A_317 = tpu.concatenate %get3A_310, %get3A_313, %get3A_316 in 1 : vector<1x128xf32>, vector<1x128xf32>, vector<1x128xf32> -> vector<1x384xf32>
    %broadcast_in_dim3A_318 = vector.shape_cast %concatenate3A_317 : vector<1x384xf32> to vector<1x384xf32>
    %broadcast_in_dim3A_319 = vector.broadcast %broadcast_in_dim3A_318 : vector<1x384xf32> to vector<200x384xf32>
    %swap3A_320 = arith.constant 10 : index
    %swap3A_321 = arith.constant 0 : index
    %swap3A_322 = arith.constant 0 : index
    %swap3A_323 = vector.load %arg7[%swap3A_320, %swap3A_321, %swap3A_322] : memref<32x200x384xf32, #tpu.memory_space<vmem>>, vector<1x200x384xf32>
    %swap3A_324 = vector.shape_cast %swap3A_323 : vector<1x200x384xf32> to vector<200x384xf32>
    %swap3A_325 = vector.shape_cast %broadcast_in_dim3A_319 : vector<200x384xf32> to vector<1x200x384xf32>
    tpu.vector_store %arg7[%swap3A_320, %swap3A_321, %swap3A_322], %swap3A_325 {strides = array<i32>} : memref<32x200x384xf32, #tpu.memory_space<vmem>>, vector<1x200x384xf32>,
    %add3A_326 = arith.constant 11 : i32
    %add3A_327 = arith.addi %mul3A_0, %add3A_326 : i32
    %get3A_328 = arith.index_cast %add3A_327 : i32 to index
    %get3A_329 = memref.load %arg1[%get3A_328] : memref<1024xi32, #tpu.memory_space<smem>>
    %add3A_330 = arith.constant 11 : i32
    %add3A_331 = arith.addi %mul3A_0, %add3A_330 : i32
    %get3A_332 = arith.index_cast %add3A_331 : i32 to index
    %get3A_333 = memref.load %arg2[%get3A_332] : memref<1024xi32, #tpu.memory_space<smem>>
    %add3A_334 = arith.constant 11 : i32
    %add3A_335 = arith.addi %mul3A_0, %add3A_334 : i32
    %get3A_336 = arith.index_cast %add3A_335 : i32 to index
    %get3A_337 = memref.load %arg3[%get3A_336] : memref<1024xi32, #tpu.memory_space<smem>>
    %get3A_338 = arith.index_cast %get3A_329 : i32 to index
    %get3A_339 = arith.constant 0 : index
    %get3A_340 = vector.load %arg4[%get3A_338, %get3A_339] : memref<6x128xf32, #tpu.memory_space<vmem>>, vector<1x128xf32>
    %get3A_341 = arith.index_cast %get3A_333 : i32 to index
    %get3A_342 = arith.constant 0 : index
    %get3A_343 = vector.load %arg5[%get3A_341, %get3A_342] : memref<44x128xf32, #tpu.memory_space<vmem>>, vector<1x128xf32>
    %get3A_344 = arith.index_cast %get3A_337 : i32 to index
    %get3A_345 = arith.constant 0 : index
    %get3A_346 = vector.load %arg6[%get3A_344, %get3A_345] : memref<1516x128xf32, #tpu.memory_space<vmem>>, vector<1x128xf32>
    %concatenate3A_347 = tpu.concatenate %get3A_340, %get3A_343, %get3A_346 in 1 : vector<1x128xf32>, vector<1x128xf32>, vector<1x128xf32> -> vector<1x384xf32>
    %broadcast_in_dim3A_348 = vector.shape_cast %concatenate3A_347 : vector<1x384xf32> to vector<1x384xf32>
    %broadcast_in_dim3A_349 = vector.broadcast %broadcast_in_dim3A_348 : vector<1x384xf32> to vector<200x384xf32>
    %swap3A_350 = arith.constant 11 : index
    %swap3A_351 = arith.constant 0 : index
    %swap3A_352 = arith.constant 0 : index
    %swap3A_353 = vector.load %arg7[%swap3A_350, %swap3A_351, %swap3A_352] : memref<32x200x384xf32, #tpu.memory_space<vmem>>, vector<1x200x384xf32>
    %swap3A_354 = vector.shape_cast %swap3A_353 : vector<1x200x384xf32> to vector<200x384xf32>
    %swap3A_355 = vector.shape_cast %broadcast_in_dim3A_349 : vector<200x384xf32> to vector<1x200x384xf32>
    tpu.vector_store %arg7[%swap3A_350, %swap3A_351, %swap3A_352], %swap3A_355 {strides = array<i32>} : memref<32x200x384xf32, #tpu.memory_space<vmem>>, vector<1x200x384xf32>,
    %add3A_356 = arith.constant 12 : i32
    %add3A_357 = arith.addi %mul3A_0, %add3A_356 : i32
    %get3A_358 = arith.index_cast %add3A_357 : i32 to index
    %get3A_359 = memref.load %arg1[%get3A_358] : memref<1024xi32, #tpu.memory_space<smem>>
    %add3A_360 = arith.constant 12 : i32
    %add3A_361 = arith.addi %mul3A_0, %add3A_360 : i32
    %get3A_362 = arith.index_cast %add3A_361 : i32 to index
    %get3A_363 = memref.load %arg2[%get3A_362] : memref<1024xi32, #tpu.memory_space<smem>>
    %add3A_364 = arith.constant 12 : i32
    %add3A_365 = arith.addi %mul3A_0, %add3A_364 : i32
    %get3A_366 = arith.index_cast %add3A_365 : i32 to index
    %get3A_367 = memref.load %arg3[%get3A_366] : memref<1024xi32, #tpu.memory_space<smem>>
    %get3A_368 = arith.index_cast %get3A_359 : i32 to index
    %get3A_369 = arith.constant 0 : index
    %get3A_370 = vector.load %arg4[%get3A_368, %get3A_369] : memref<6x128xf32, #tpu.memory_space<vmem>>, vector<1x128xf32>
    %get3A_371 = arith.index_cast %get3A_363 : i32 to index
    %get3A_372 = arith.constant 0 : index
    %get3A_373 = vector.load %arg5[%get3A_371, %get3A_372] : memref<44x128xf32, #tpu.memory_space<vmem>>, vector<1x128xf32>
    %get3A_374 = arith.index_cast %get3A_367 : i32 to index
    %get3A_375 = arith.constant 0 : index
    %get3A_376 = vector.load %arg6[%get3A_374, %get3A_375] : memref<1516x128xf32, #tpu.memory_space<vmem>>, vector<1x128xf32>
    %concatenate3A_377 = tpu.concatenate %get3A_370, %get3A_373, %get3A_376 in 1 : vector<1x128xf32>, vector<1x128xf32>, vector<1x128xf32> -> vector<1x384xf32>
    %broadcast_in_dim3A_378 = vector.shape_cast %concatenate3A_377 : vector<1x384xf32> to vector<1x384xf32>
    %broadcast_in_dim3A_379 = vector.broadcast %broadcast_in_dim3A_378 : vector<1x384xf32> to vector<200x384xf32>
    %swap3A_380 = arith.constant 12 : index
    %swap3A_381 = arith.constant 0 : index
    %swap3A_382 = arith.constant 0 : index
    %swap3A_383 = vector.load %arg7[%swap3A_380, %swap3A_381, %swap3A_382] : memref<32x200x384xf32, #tpu.memory_space<vmem>>, vector<1x200x384xf32>
    %swap3A_384 = vector.shape_cast %swap3A_383 : vector<1x200x384xf32> to vector<200x384xf32>
    %swap3A_385 = vector.shape_cast %broadcast_in_dim3A_379 : vector<200x384xf32> to vector<1x200x384xf32>
    tpu.vector_store %arg7[%swap3A_380, %swap3A_381, %swap3A_382], %swap3A_385 {strides = array<i32>} : memref<32x200x384xf32, #tpu.memory_space<vmem>>, vector<1x200x384xf32>,
    %add3A_386 = arith.constant 13 : i32
    %add3A_387 = arith.addi %mul3A_0, %add3A_386 : i32
    %get3A_388 = arith.index_cast %add3A_387 : i32 to index
    %get3A_389 = memref.load %arg1[%get3A_388] : memref<1024xi32, #tpu.memory_space<smem>>
    %add3A_390 = arith.constant 13 : i32
    %add3A_391 = arith.addi %mul3A_0, %add3A_390 : i32
    %get3A_392 = arith.index_cast %add3A_391 : i32 to index
    %get3A_393 = memref.load %arg2[%get3A_392] : memref<1024xi32, #tpu.memory_space<smem>>
    %add3A_394 = arith.constant 13 : i32
    %add3A_395 = arith.addi %mul3A_0, %add3A_394 : i32
    %get3A_396 = arith.index_cast %add3A_395 : i32 to index
    %get3A_397 = memref.load %arg3[%get3A_396] : memref<1024xi32, #tpu.memory_space<smem>>
    %get3A_398 = arith.index_cast %get3A_389 : i32 to index
    %get3A_399 = arith.constant 0 : index
    %get3A_400 = vector.load %arg4[%get3A_398, %get3A_399] : memref<6x128xf32, #tpu.memory_space<vmem>>, vector<1x128xf32>
    %get3A_401 = arith.index_cast %get3A_393 : i32 to index
    %get3A_402 = arith.constant 0 : index
    %get3A_403 = vector.load %arg5[%get3A_401, %get3A_402] : memref<44x128xf32, #tpu.memory_space<vmem>>, vector<1x128xf32>
    %get3A_404 = arith.index_cast %get3A_397 : i32 to index
    %get3A_405 = arith.constant 0 : index
    %get3A_406 = vector.load %arg6[%get3A_404, %get3A_405] : memref<1516x128xf32, #tpu.memory_space<vmem>>, vector<1x128xf32>
    %concatenate3A_407 = tpu.concatenate %get3A_400, %get3A_403, %get3A_406 in 1 : vector<1x128xf32>, vector<1x128xf32>, vector<1x128xf32> -> vector<1x384xf32>
    %broadcast_in_dim3A_408 = vector.shape_cast %concatenate3A_407 : vector<1x384xf32> to vector<1x384xf32>
    %broadcast_in_dim3A_409 = vector.broadcast %broadcast_in_dim3A_408 : vector<1x384xf32> to vector<200x384xf32>
    %swap3A_410 = arith.constant 13 : index
    %swap3A_411 = arith.constant 0 : index
    %swap3A_412 = arith.constant 0 : index
    %swap3A_413 = vector.load %arg7[%swap3A_410, %swap3A_411, %swap3A_412] : memref<32x200x384xf32, #tpu.memory_space<vmem>>, vector<1x200x384xf32>
    %swap3A_414 = vector.shape_cast %swap3A_413 : vector<1x200x384xf32> to vector<200x384xf32>
    %swap3A_415 = vector.shape_cast %broadcast_in_dim3A_409 : vector<200x384xf32> to vector<1x200x384xf32>
    tpu.vector_store %arg7[%swap3A_410, %swap3A_411, %swap3A_412], %swap3A_415 {strides = array<i32>} : memref<32x200x384xf32, #tpu.memory_space<vmem>>, vector<1x200x384xf32>,
    %add3A_416 = arith.constant 14 : i32
    %add3A_417 = arith.addi %mul3A_0, %add3A_416 : i32
    %get3A_418 = arith.index_cast %add3A_417 : i32 to index
    %get3A_419 = memref.load %arg1[%get3A_418] : memref<1024xi32, #tpu.memory_space<smem>>
    %add3A_420 = arith.constant 14 : i32
    %add3A_421 = arith.addi %mul3A_0, %add3A_420 : i32
    %get3A_422 = arith.index_cast %add3A_421 : i32 to index
    %get3A_423 = memref.load %arg2[%get3A_422] : memref<1024xi32, #tpu.memory_space<smem>>
    %add3A_424 = arith.constant 14 : i32
    %add3A_425 = arith.addi %mul3A_0, %add3A_424 : i32
    %get3A_426 = arith.index_cast %add3A_425 : i32 to index
    %get3A_427 = memref.load %arg3[%get3A_426] : memref<1024xi32, #tpu.memory_space<smem>>
    %get3A_428 = arith.index_cast %get3A_419 : i32 to index
    %get3A_429 = arith.constant 0 : index
    %get3A_430 = vector.load %arg4[%get3A_428, %get3A_429] : memref<6x128xf32, #tpu.memory_space<vmem>>, vector<1x128xf32>
    %get3A_431 = arith.index_cast %get3A_423 : i32 to index
    %get3A_432 = arith.constant 0 : index
    %get3A_433 = vector.load %arg5[%get3A_431, %get3A_432] : memref<44x128xf32, #tpu.memory_space<vmem>>, vector<1x128xf32>
    %get3A_434 = arith.index_cast %get3A_427 : i32 to index
    %get3A_435 = arith.constant 0 : index
    %get3A_436 = vector.load %arg6[%get3A_434, %get3A_435] : memref<1516x128xf32, #tpu.memory_space<vmem>>, vector<1x128xf32>
    %concatenate3A_437 = tpu.concatenate %get3A_430, %get3A_433, %get3A_436 in 1 : vector<1x128xf32>, vector<1x128xf32>, vector<1x128xf32> -> vector<1x384xf32>
    %broadcast_in_dim3A_438 = vector.shape_cast %concatenate3A_437 : vector<1x384xf32> to vector<1x384xf32>
    %broadcast_in_dim3A_439 = vector.broadcast %broadcast_in_dim3A_438 : vector<1x384xf32> to vector<200x384xf32>
    %swap3A_440 = arith.constant 14 : index
    %swap3A_441 = arith.constant 0 : index
    %swap3A_442 = arith.constant 0 : index
    %swap3A_443 = vector.load %arg7[%swap3A_440, %swap3A_441, %swap3A_442] : memref<32x200x384xf32, #tpu.memory_space<vmem>>, vector<1x200x384xf32>
    %swap3A_444 = vector.shape_cast %swap3A_443 : vector<1x200x384xf32> to vector<200x384xf32>
    %swap3A_445 = vector.shape_cast %broadcast_in_dim3A_439 : vector<200x384xf32> to vector<1x200x384xf32>
    tpu.vector_store %arg7[%swap3A_440, %swap3A_441, %swap3A_442], %swap3A_445 {strides = array<i32>} : memref<32x200x384xf32, #tpu.memory_space<vmem>>, vector<1x200x384xf32>,
    %add3A_446 = arith.constant 15 : i32
    %add3A_447 = arith.addi %mul3A_0, %add3A_446 : i32
    %get3A_448 = arith.index_cast %add3A_447 : i32 to index
    %get3A_449 = memref.load %arg1[%get3A_448] : memref<1024xi32, #tpu.memory_space<smem>>
    %add3A_450 = arith.constant 15 : i32
    %add3A_451 = arith.addi %mul3A_0, %add3A_450 : i32
    %get3A_452 = arith.index_cast %add3A_451 : i32 to index
    %get3A_453 = memref.load %arg2[%get3A_452] : memref<1024xi32, #tpu.memory_space<smem>>
    %add3A_454 = arith.constant 15 : i32
    %add3A_455 = arith.addi %mul3A_0, %add3A_454 : i32
    %get3A_456 = arith.index_cast %add3A_455 : i32 to index
    %get3A_457 = memref.load %arg3[%get3A_456] : memref<1024xi32, #tpu.memory_space<smem>>
    %get3A_458 = arith.index_cast %get3A_449 : i32 to index
    %get3A_459 = arith.constant 0 : index
    %get3A_460 = vector.load %arg4[%get3A_458, %get3A_459] : memref<6x128xf32, #tpu.memory_space<vmem>>, vector<1x128xf32>
    %get3A_461 = arith.index_cast %get3A_453 : i32 to index
    %get3A_462 = arith.constant 0 : index
    %get3A_463 = vector.load %arg5[%get3A_461, %get3A_462] : memref<44x128xf32, #tpu.memory_space<vmem>>, vector<1x128xf32>
    %get3A_464 = arith.index_cast %get3A_457 : i32 to index
    %get3A_465 = arith.constant 0 : index
    %get3A_466 = vector.load %arg6[%get3A_464, %get3A_465] : memref<1516x128xf32, #tpu.memory_space<vmem>>, vector<1x128xf32>
    %concatenate3A_467 = tpu.concatenate %get3A_460, %get3A_463, %get3A_466 in 1 : vector<1x128xf32>, vector<1x128xf32>, vector<1x128xf32> -> vector<1x384xf32>
    %broadcast_in_dim3A_468 = vector.shape_cast %concatenate3A_467 : vector<1x384xf32> to vector<1x384xf32>
    %broadcast_in_dim3A_469 = vector.broadcast %broadcast_in_dim3A_468 : vector<1x384xf32> to vector<200x384xf32>
    %swap3A_470 = arith.constant 15 : index
    %swap3A_471 = arith.constant 0 : index
    %swap3A_472 = arith.constant 0 : index
    %swap3A_473 = vector.load %arg7[%swap3A_470, %swap3A_471, %swap3A_472] : memref<32x200x384xf32, #tpu.memory_space<vmem>>, vector<1x200x384xf32>
    %swap3A_474 = vector.shape_cast %swap3A_473 : vector<1x200x384xf32> to vector<200x384xf32>
    %swap3A_475 = vector.shape_cast %broadcast_in_dim3A_469 : vector<200x384xf32> to vector<1x200x384xf32>
    tpu.vector_store %arg7[%swap3A_470, %swap3A_471, %swap3A_472], %swap3A_475 {strides = array<i32>} : memref<32x200x384xf32, #tpu.memory_space<vmem>>, vector<1x200x384xf32>,
    %add3A_476 = arith.constant 16 : i32
    %add3A_477 = arith.addi %mul3A_0, %add3A_476 : i32
    %get3A_478 = arith.index_cast %add3A_477 : i32 to index
    %get3A_479 = memref.load %arg1[%get3A_478] : memref<1024xi32, #tpu.memory_space<smem>>
    %add3A_480 = arith.constant 16 : i32
    %add3A_481 = arith.addi %mul3A_0, %add3A_480 : i32
    %get3A_482 = arith.index_cast %add3A_481 : i32 to index
    %get3A_483 = memref.load %arg2[%get3A_482] : memref<1024xi32, #tpu.memory_space<smem>>
    %add3A_484 = arith.constant 16 : i32
    %add3A_485 = arith.addi %mul3A_0, %add3A_484 : i32
    %get3A_486 = arith.index_cast %add3A_485 : i32 to index
    %get3A_487 = memref.load %arg3[%get3A_486] : memref<1024xi32, #tpu.memory_space<smem>>
    %get3A_488 = arith.index_cast %get3A_479 : i32 to index
    %get3A_489 = arith.constant 0 : index
    %get3A_490 = vector.load %arg4[%get3A_488, %get3A_489] : memref<6x128xf32, #tpu.memory_space<vmem>>, vector<1x128xf32>
    %get3A_491 = arith.index_cast %get3A_483 : i32 to index
    %get3A_492 = arith.constant 0 : index
    %get3A_493 = vector.load %arg5[%get3A_491, %get3A_492] : memref<44x128xf32, #tpu.memory_space<vmem>>, vector<1x128xf32>
    %get3A_494 = arith.index_cast %get3A_487 : i32 to index
    %get3A_495 = arith.constant 0 : index
    %get3A_496 = vector.load %arg6[%get3A_494, %get3A_495] : memref<1516x128xf32, #tpu.memory_space<vmem>>, vector<1x128xf32>
    %concatenate3A_497 = tpu.concatenate %get3A_490, %get3A_493, %get3A_496 in 1 : vector<1x128xf32>, vector<1x128xf32>, vector<1x128xf32> -> vector<1x384xf32>
    %broadcast_in_dim3A_498 = vector.shape_cast %concatenate3A_497 : vector<1x384xf32> to vector<1x384xf32>
    %broadcast_in_dim3A_499 = vector.broadcast %broadcast_in_dim3A_498 : vector<1x384xf32> to vector<200x384xf32>
    %swap3A_500 = arith.constant 16 : index
    %swap3A_501 = arith.constant 0 : index
    %swap3A_502 = arith.constant 0 : index
    %swap3A_503 = vector.load %arg7[%swap3A_500, %swap3A_501, %swap3A_502] : memref<32x200x384xf32, #tpu.memory_space<vmem>>, vector<1x200x384xf32>
    %swap3A_504 = vector.shape_cast %swap3A_503 : vector<1x200x384xf32> to vector<200x384xf32>
    %swap3A_505 = vector.shape_cast %broadcast_in_dim3A_499 : vector<200x384xf32> to vector<1x200x384xf32>
    tpu.vector_store %arg7[%swap3A_500, %swap3A_501, %swap3A_502], %swap3A_505 {strides = array<i32>} : memref<32x200x384xf32, #tpu.memory_space<vmem>>, vector<1x200x384xf32>,
    %add3A_506 = arith.constant 17 : i32
    %add3A_507 = arith.addi %mul3A_0, %add3A_506 : i32
    %get3A_508 = arith.index_cast %add3A_507 : i32 to index
    %get3A_509 = memref.load %arg1[%get3A_508] : memref<1024xi32, #tpu.memory_space<smem>>
    %add3A_510 = arith.constant 17 : i32
    %add3A_511 = arith.addi %mul3A_0, %add3A_510 : i32
    %get3A_512 = arith.index_cast %add3A_511 : i32 to index
    %get3A_513 = memref.load %arg2[%get3A_512] : memref<1024xi32, #tpu.memory_space<smem>>
    %add3A_514 = arith.constant 17 : i32
    %add3A_515 = arith.addi %mul3A_0, %add3A_514 : i32
    %get3A_516 = arith.index_cast %add3A_515 : i32 to index
    %get3A_517 = memref.load %arg3[%get3A_516] : memref<1024xi32, #tpu.memory_space<smem>>
    %get3A_518 = arith.index_cast %get3A_509 : i32 to index
    %get3A_519 = arith.constant 0 : index
    %get3A_520 = vector.load %arg4[%get3A_518, %get3A_519] : memref<6x128xf32, #tpu.memory_space<vmem>>, vector<1x128xf32>
    %get3A_521 = arith.index_cast %get3A_513 : i32 to index
    %get3A_522 = arith.constant 0 : index
    %get3A_523 = vector.load %arg5[%get3A_521, %get3A_522] : memref<44x128xf32, #tpu.memory_space<vmem>>, vector<1x128xf32>
    %get3A_524 = arith.index_cast %get3A_517 : i32 to index
    %get3A_525 = arith.constant 0 : index
    %get3A_526 = vector.load %arg6[%get3A_524, %get3A_525] : memref<1516x128xf32, #tpu.memory_space<vmem>>, vector<1x128xf32>
    %concatenate3A_527 = tpu.concatenate %get3A_520, %get3A_523, %get3A_526 in 1 : vector<1x128xf32>, vector<1x128xf32>, vector<1x128xf32> -> vector<1x384xf32>
    %broadcast_in_dim3A_528 = vector.shape_cast %concatenate3A_527 : vector<1x384xf32> to vector<1x384xf32>
    %broadcast_in_dim3A_529 = vector.broadcast %broadcast_in_dim3A_528 : vector<1x384xf32> to vector<200x384xf32>
    %swap3A_530 = arith.constant 17 : index
    %swap3A_531 = arith.constant 0 : index
    %swap3A_532 = arith.constant 0 : index
    %swap3A_533 = vector.load %arg7[%swap3A_530, %swap3A_531, %swap3A_532] : memref<32x200x384xf32, #tpu.memory_space<vmem>>, vector<1x200x384xf32>
    %swap3A_534 = vector.shape_cast %swap3A_533 : vector<1x200x384xf32> to vector<200x384xf32>
    %swap3A_535 = vector.shape_cast %broadcast_in_dim3A_529 : vector<200x384xf32> to vector<1x200x384xf32>
    tpu.vector_store %arg7[%swap3A_530, %swap3A_531, %swap3A_532], %swap3A_535 {strides = array<i32>} : memref<32x200x384xf32, #tpu.memory_space<vmem>>, vector<1x200x384xf32>,
    %add3A_536 = arith.constant 18 : i32
    %add3A_537 = arith.addi %mul3A_0, %add3A_536 : i32
    %get3A_538 = arith.index_cast %add3A_537 : i32 to index
    %get3A_539 = memref.load %arg1[%get3A_538] : memref<1024xi32, #tpu.memory_space<smem>>
    %add3A_540 = arith.constant 18 : i32
    %add3A_541 = arith.addi %mul3A_0, %add3A_540 : i32
    %get3A_542 = arith.index_cast %add3A_541 : i32 to index
    %get3A_543 = memref.load %arg2[%get3A_542] : memref<1024xi32, #tpu.memory_space<smem>>
    %add3A_544 = arith.constant 18 : i32
    %add3A_545 = arith.addi %mul3A_0, %add3A_544 : i32
    %get3A_546 = arith.index_cast %add3A_545 : i32 to index
    %get3A_547 = memref.load %arg3[%get3A_546] : memref<1024xi32, #tpu.memory_space<smem>>
    %get3A_548 = arith.index_cast %get3A_539 : i32 to index
    %get3A_549 = arith.constant 0 : index
    %get3A_550 = vector.load %arg4[%get3A_548, %get3A_549] : memref<6x128xf32, #tpu.memory_space<vmem>>, vector<1x128xf32>
    %get3A_551 = arith.index_cast %get3A_543 : i32 to index
    %get3A_552 = arith.constant 0 : index
    %get3A_553 = vector.load %arg5[%get3A_551, %get3A_552] : memref<44x128xf32, #tpu.memory_space<vmem>>, vector<1x128xf32>
    %get3A_554 = arith.index_cast %get3A_547 : i32 to index
    %get3A_555 = arith.constant 0 : index
    %get3A_556 = vector.load %arg6[%get3A_554, %get3A_555] : memref<1516x128xf32, #tpu.memory_space<vmem>>, vector<1x128xf32>
    %concatenate3A_557 = tpu.concatenate %get3A_550, %get3A_553, %get3A_556 in 1 : vector<1x128xf32>, vector<1x128xf32>, vector<1x128xf32> -> vector<1x384xf32>
    %broadcast_in_dim3A_558 = vector.shape_cast %concatenate3A_557 : vector<1x384xf32> to vector<1x384xf32>
    %broadcast_in_dim3A_559 = vector.broadcast %broadcast_in_dim3A_558 : vector<1x384xf32> to vector<200x384xf32>
    %swap3A_560 = arith.constant 18 : index
    %swap3A_561 = arith.constant 0 : index
    %swap3A_562 = arith.constant 0 : index
    %swap3A_563 = vector.load %arg7[%swap3A_560, %swap3A_561, %swap3A_562] : memref<32x200x384xf32, #tpu.memory_space<vmem>>, vector<1x200x384xf32>
    %swap3A_564 = vector.shape_cast %swap3A_563 : vector<1x200x384xf32> to vector<200x384xf32>
    %swap3A_565 = vector.shape_cast %broadcast_in_dim3A_559 : vector<200x384xf32> to vector<1x200x384xf32>
    tpu.vector_store %arg7[%swap3A_560, %swap3A_561, %swap3A_562], %swap3A_565 {strides = array<i32>} : memref<32x200x384xf32, #tpu.memory_space<vmem>>, vector<1x200x384xf32>,
    %add3A_566 = arith.constant 19 : i32
    %add3A_567 = arith.addi %mul3A_0, %add3A_566 : i32
    %get3A_568 = arith.index_cast %add3A_567 : i32 to index
    %get3A_569 = memref.load %arg1[%get3A_568] : memref<1024xi32, #tpu.memory_space<smem>>
    %add3A_570 = arith.constant 19 : i32
    %add3A_571 = arith.addi %mul3A_0, %add3A_570 : i32
    %get3A_572 = arith.index_cast %add3A_571 : i32 to index
    %get3A_573 = memref.load %arg2[%get3A_572] : memref<1024xi32, #tpu.memory_space<smem>>
    %add3A_574 = arith.constant 19 : i32
    %add3A_575 = arith.addi %mul3A_0, %add3A_574 : i32
    %get3A_576 = arith.index_cast %add3A_575 : i32 to index
    %get3A_577 = memref.load %arg3[%get3A_576] : memref<1024xi32, #tpu.memory_space<smem>>
    %get3A_578 = arith.index_cast %get3A_569 : i32 to index
    %get3A_579 = arith.constant 0 : index
    %get3A_580 = vector.load %arg4[%get3A_578, %get3A_579] : memref<6x128xf32, #tpu.memory_space<vmem>>, vector<1x128xf32>
    %get3A_581 = arith.index_cast %get3A_573 : i32 to index
    %get3A_582 = arith.constant 0 : index
    %get3A_583 = vector.load %arg5[%get3A_581, %get3A_582] : memref<44x128xf32, #tpu.memory_space<vmem>>, vector<1x128xf32>
    %get3A_584 = arith.index_cast %get3A_577 : i32 to index
    %get3A_585 = arith.constant 0 : index
    %get3A_586 = vector.load %arg6[%get3A_584, %get3A_585] : memref<1516x128xf32, #tpu.memory_space<vmem>>, vector<1x128xf32>
    %concatenate3A_587 = tpu.concatenate %get3A_580, %get3A_583, %get3A_586 in 1 : vector<1x128xf32>, vector<1x128xf32>, vector<1x128xf32> -> vector<1x384xf32>
    %broadcast_in_dim3A_588 = vector.shape_cast %concatenate3A_587 : vector<1x384xf32> to vector<1x384xf32>
    %broadcast_in_dim3A_589 = vector.broadcast %broadcast_in_dim3A_588 : vector<1x384xf32> to vector<200x384xf32>
    %swap3A_590 = arith.constant 19 : index
    %swap3A_591 = arith.constant 0 : index
    %swap3A_592 = arith.constant 0 : index
    %swap3A_593 = vector.load %arg7[%swap3A_590, %swap3A_591, %swap3A_592] : memref<32x200x384xf32, #tpu.memory_space<vmem>>, vector<1x200x384xf32>
    %swap3A_594 = vector.shape_cast %swap3A_593 : vector<1x200x384xf32> to vector<200x384xf32>
    %swap3A_595 = vector.shape_cast %broadcast_in_dim3A_589 : vector<200x384xf32> to vector<1x200x384xf32>
    tpu.vector_store %arg7[%swap3A_590, %swap3A_591, %swap3A_592], %swap3A_595 {strides = array<i32>} : memref<32x200x384xf32, #tpu.memory_space<vmem>>, vector<1x200x384xf32>,
    %add3A_596 = arith.constant 20 : i32
    %add3A_597 = arith.addi %mul3A_0, %add3A_596 : i32
    %get3A_598 = arith.index_cast %add3A_597 : i32 to index
    %get3A_599 = memref.load %arg1[%get3A_598] : memref<1024xi32, #tpu.memory_space<smem>>
    %add3A_600 = arith.constant 20 : i32
    %add3A_601 = arith.addi %mul3A_0, %add3A_600 : i32
    %get3A_602 = arith.index_cast %add3A_601 : i32 to index
    %get3A_603 = memref.load %arg2[%get3A_602] : memref<1024xi32, #tpu.memory_space<smem>>
    %add3A_604 = arith.constant 20 : i32
    %add3A_605 = arith.addi %mul3A_0, %add3A_604 : i32
    %get3A_606 = arith.index_cast %add3A_605 : i32 to index
    %get3A_607 = memref.load %arg3[%get3A_606] : memref<1024xi32, #tpu.memory_space<smem>>
    %get3A_608 = arith.index_cast %get3A_599 : i32 to index
    %get3A_609 = arith.constant 0 : index
    %get3A_610 = vector.load %arg4[%get3A_608, %get3A_609] : memref<6x128xf32, #tpu.memory_space<vmem>>, vector<1x128xf32>
    %get3A_611 = arith.index_cast %get3A_603 : i32 to index
    %get3A_612 = arith.constant 0 : index
    %get3A_613 = vector.load %arg5[%get3A_611, %get3A_612] : memref<44x128xf32, #tpu.memory_space<vmem>>, vector<1x128xf32>
    %get3A_614 = arith.index_cast %get3A_607 : i32 to index
    %get3A_615 = arith.constant 0 : index
    %get3A_616 = vector.load %arg6[%get3A_614, %get3A_615] : memref<1516x128xf32, #tpu.memory_space<vmem>>, vector<1x128xf32>
    %concatenate3A_617 = tpu.concatenate %get3A_610, %get3A_613, %get3A_616 in 1 : vector<1x128xf32>, vector<1x128xf32>, vector<1x128xf32> -> vector<1x384xf32>
    %broadcast_in_dim3A_618 = vector.shape_cast %concatenate3A_617 : vector<1x384xf32> to vector<1x384xf32>
    %broadcast_in_dim3A_619 = vector.broadcast %broadcast_in_dim3A_618 : vector<1x384xf32> to vector<200x384xf32>
    %swap3A_620 = arith.constant 20 : index
    %swap3A_621 = arith.constant 0 : index
    %swap3A_622 = arith.constant 0 : index
    %swap3A_623 = vector.load %arg7[%swap3A_620, %swap3A_621, %swap3A_622] : memref<32x200x384xf32, #tpu.memory_space<vmem>>, vector<1x200x384xf32>
    %swap3A_624 = vector.shape_cast %swap3A_623 : vector<1x200x384xf32> to vector<200x384xf32>
    %swap3A_625 = vector.shape_cast %broadcast_in_dim3A_619 : vector<200x384xf32> to vector<1x200x384xf32>
    tpu.vector_store %arg7[%swap3A_620, %swap3A_621, %swap3A_622], %swap3A_625 {strides = array<i32>} : memref<32x200x384xf32, #tpu.memory_space<vmem>>, vector<1x200x384xf32>,
    %add3A_626 = arith.constant 21 : i32
    %add3A_627 = arith.addi %mul3A_0, %add3A_626 : i32
    %get3A_628 = arith.index_cast %add3A_627 : i32 to index
    %get3A_629 = memref.load %arg1[%get3A_628] : memref<1024xi32, #tpu.memory_space<smem>>
    %add3A_630 = arith.constant 21 : i32
    %add3A_631 = arith.addi %mul3A_0, %add3A_630 : i32
    %get3A_632 = arith.index_cast %add3A_631 : i32 to index
    %get3A_633 = memref.load %arg2[%get3A_632] : memref<1024xi32, #tpu.memory_space<smem>>
    %add3A_634 = arith.constant 21 : i32
    %add3A_635 = arith.addi %mul3A_0, %add3A_634 : i32
    %get3A_636 = arith.index_cast %add3A_635 : i32 to index
    %get3A_637 = memref.load %arg3[%get3A_636] : memref<1024xi32, #tpu.memory_space<smem>>
    %get3A_638 = arith.index_cast %get3A_629 : i32 to index
    %get3A_639 = arith.constant 0 : index
    %get3A_640 = vector.load %arg4[%get3A_638, %get3A_639] : memref<6x128xf32, #tpu.memory_space<vmem>>, vector<1x128xf32>
    %get3A_641 = arith.index_cast %get3A_633 : i32 to index
    %get3A_642 = arith.constant 0 : index
    %get3A_643 = vector.load %arg5[%get3A_641, %get3A_642] : memref<44x128xf32, #tpu.memory_space<vmem>>, vector<1x128xf32>
    %get3A_644 = arith.index_cast %get3A_637 : i32 to index
    %get3A_645 = arith.constant 0 : index
    %get3A_646 = vector.load %arg6[%get3A_644, %get3A_645] : memref<1516x128xf32, #tpu.memory_space<vmem>>, vector<1x128xf32>
    %concatenate3A_647 = tpu.concatenate %get3A_640, %get3A_643, %get3A_646 in 1 : vector<1x128xf32>, vector<1x128xf32>, vector<1x128xf32> -> vector<1x384xf32>
    %broadcast_in_dim3A_648 = vector.shape_cast %concatenate3A_647 : vector<1x384xf32> to vector<1x384xf32>
    %broadcast_in_dim3A_649 = vector.broadcast %broadcast_in_dim3A_648 : vector<1x384xf32> to vector<200x384xf32>
    %swap3A_650 = arith.constant 21 : index
    %swap3A_651 = arith.constant 0 : index
    %swap3A_652 = arith.constant 0 : index
    %swap3A_653 = vector.load %arg7[%swap3A_650, %swap3A_651, %swap3A_652] : memref<32x200x384xf32, #tpu.memory_space<vmem>>, vector<1x200x384xf32>
    %swap3A_654 = vector.shape_cast %swap3A_653 : vector<1x200x384xf32> to vector<200x384xf32>
    %swap3A_655 = vector.shape_cast %broadcast_in_dim3A_649 : vector<200x384xf32> to vector<1x200x384xf32>
    tpu.vector_store %arg7[%swap3A_650, %swap3A_651, %swap3A_652], %swap3A_655 {strides = array<i32>} : memref<32x200x384xf32, #tpu.memory_space<vmem>>, vector<1x200x384xf32>,
    %add3A_656 = arith.constant 22 : i32
    %add3A_657 = arith.addi %mul3A_0, %add3A_656 : i32
    %get3A_658 = arith.index_cast %add3A_657 : i32 to index
    %get3A_659 = memref.load %arg1[%get3A_658] : memref<1024xi32, #tpu.memory_space<smem>>
    %add3A_660 = arith.constant 22 : i32
    %add3A_661 = arith.addi %mul3A_0, %add3A_660 : i32
    %get3A_662 = arith.index_cast %add3A_661 : i32 to index
    %get3A_663 = memref.load %arg2[%get3A_662] : memref<1024xi32, #tpu.memory_space<smem>>
    %add3A_664 = arith.constant 22 : i32
    %add3A_665 = arith.addi %mul3A_0, %add3A_664 : i32
    %get3A_666 = arith.index_cast %add3A_665 : i32 to index
    %get3A_667 = memref.load %arg3[%get3A_666] : memref<1024xi32, #tpu.memory_space<smem>>
    %get3A_668 = arith.index_cast %get3A_659 : i32 to index
    %get3A_669 = arith.constant 0 : index
    %get3A_670 = vector.load %arg4[%get3A_668, %get3A_669] : memref<6x128xf32, #tpu.memory_space<vmem>>, vector<1x128xf32>
    %get3A_671 = arith.index_cast %get3A_663 : i32 to index
    %get3A_672 = arith.constant 0 : index
    %get3A_673 = vector.load %arg5[%get3A_671, %get3A_672] : memref<44x128xf32, #tpu.memory_space<vmem>>, vector<1x128xf32>
    %get3A_674 = arith.index_cast %get3A_667 : i32 to index
    %get3A_675 = arith.constant 0 : index
    %get3A_676 = vector.load %arg6[%get3A_674, %get3A_675] : memref<1516x128xf32, #tpu.memory_space<vmem>>, vector<1x128xf32>
    %concatenate3A_677 = tpu.concatenate %get3A_670, %get3A_673, %get3A_676 in 1 : vector<1x128xf32>, vector<1x128xf32>, vector<1x128xf32> -> vector<1x384xf32>
    %broadcast_in_dim3A_678 = vector.shape_cast %concatenate3A_677 : vector<1x384xf32> to vector<1x384xf32>
    %broadcast_in_dim3A_679 = vector.broadcast %broadcast_in_dim3A_678 : vector<1x384xf32> to vector<200x384xf32>
    %swap3A_680 = arith.constant 22 : index
    %swap3A_681 = arith.constant 0 : index
    %swap3A_682 = arith.constant 0 : index
    %swap3A_683 = vector.load %arg7[%swap3A_680, %swap3A_681, %swap3A_682] : memref<32x200x384xf32, #tpu.memory_space<vmem>>, vector<1x200x384xf32>
    %swap3A_684 = vector.shape_cast %swap3A_683 : vector<1x200x384xf32> to vector<200x384xf32>
    %swap3A_685 = vector.shape_cast %broadcast_in_dim3A_679 : vector<200x384xf32> to vector<1x200x384xf32>
    tpu.vector_store %arg7[%swap3A_680, %swap3A_681, %swap3A_682], %swap3A_685 {strides = array<i32>} : memref<32x200x384xf32, #tpu.memory_space<vmem>>, vector<1x200x384xf32>,
    %add3A_686 = arith.constant 23 : i32
    %add3A_687 = arith.addi %mul3A_0, %add3A_686 : i32
    %get3A_688 = arith.index_cast %add3A_687 : i32 to index
    %get3A_689 = memref.load %arg1[%get3A_688] : memref<1024xi32, #tpu.memory_space<smem>>
    %add3A_690 = arith.constant 23 : i32
    %add3A_691 = arith.addi %mul3A_0, %add3A_690 : i32
    %get3A_692 = arith.index_cast %add3A_691 : i32 to index
    %get3A_693 = memref.load %arg2[%get3A_692] : memref<1024xi32, #tpu.memory_space<smem>>
    %add3A_694 = arith.constant 23 : i32
    %add3A_695 = arith.addi %mul3A_0, %add3A_694 : i32
    %get3A_696 = arith.index_cast %add3A_695 : i32 to index
    %get3A_697 = memref.load %arg3[%get3A_696] : memref<1024xi32, #tpu.memory_space<smem>>
    %get3A_698 = arith.index_cast %get3A_689 : i32 to index
    %get3A_699 = arith.constant 0 : index
    %get3A_700 = vector.load %arg4[%get3A_698, %get3A_699] : memref<6x128xf32, #tpu.memory_space<vmem>>, vector<1x128xf32>
    %get3A_701 = arith.index_cast %get3A_693 : i32 to index
    %get3A_702 = arith.constant 0 : index
    %get3A_703 = vector.load %arg5[%get3A_701, %get3A_702] : memref<44x128xf32, #tpu.memory_space<vmem>>, vector<1x128xf32>
    %get3A_704 = arith.index_cast %get3A_697 : i32 to index
    %get3A_705 = arith.constant 0 : index
    %get3A_706 = vector.load %arg6[%get3A_704, %get3A_705] : memref<1516x128xf32, #tpu.memory_space<vmem>>, vector<1x128xf32>
    %concatenate3A_707 = tpu.concatenate %get3A_700, %get3A_703, %get3A_706 in 1 : vector<1x128xf32>, vector<1x128xf32>, vector<1x128xf32> -> vector<1x384xf32>
    %broadcast_in_dim3A_708 = vector.shape_cast %concatenate3A_707 : vector<1x384xf32> to vector<1x384xf32>
    %broadcast_in_dim3A_709 = vector.broadcast %broadcast_in_dim3A_708 : vector<1x384xf32> to vector<200x384xf32>
    %swap3A_710 = arith.constant 23 : index
    %swap3A_711 = arith.constant 0 : index
    %swap3A_712 = arith.constant 0 : index
    %swap3A_713 = vector.load %arg7[%swap3A_710, %swap3A_711, %swap3A_712] : memref<32x200x384xf32, #tpu.memory_space<vmem>>, vector<1x200x384xf32>
    %swap3A_714 = vector.shape_cast %swap3A_713 : vector<1x200x384xf32> to vector<200x384xf32>
    %swap3A_715 = vector.shape_cast %broadcast_in_dim3A_709 : vector<200x384xf32> to vector<1x200x384xf32>
    tpu.vector_store %arg7[%swap3A_710, %swap3A_711, %swap3A_712], %swap3A_715 {strides = array<i32>} : memref<32x200x384xf32, #tpu.memory_space<vmem>>, vector<1x200x384xf32>,
    %add3A_716 = arith.constant 24 : i32
    %add3A_717 = arith.addi %mul3A_0, %add3A_716 : i32
    %get3A_718 = arith.index_cast %add3A_717 : i32 to index
    %get3A_719 = memref.load %arg1[%get3A_718] : memref<1024xi32, #tpu.memory_space<smem>>
    %add3A_720 = arith.constant 24 : i32
    %add3A_721 = arith.addi %mul3A_0, %add3A_720 : i32
    %get3A_722 = arith.index_cast %add3A_721 : i32 to index
    %get3A_723 = memref.load %arg2[%get3A_722] : memref<1024xi32, #tpu.memory_space<smem>>
    %add3A_724 = arith.constant 24 : i32
    %add3A_725 = arith.addi %mul3A_0, %add3A_724 : i32
    %get3A_726 = arith.index_cast %add3A_725 : i32 to index
    %get3A_727 = memref.load %arg3[%get3A_726] : memref<1024xi32, #tpu.memory_space<smem>>
    %get3A_728 = arith.index_cast %get3A_719 : i32 to index
    %get3A_729 = arith.constant 0 : index
    %get3A_730 = vector.load %arg4[%get3A_728, %get3A_729] : memref<6x128xf32, #tpu.memory_space<vmem>>, vector<1x128xf32>
    %get3A_731 = arith.index_cast %get3A_723 : i32 to index
    %get3A_732 = arith.constant 0 : index
    %get3A_733 = vector.load %arg5[%get3A_731, %get3A_732] : memref<44x128xf32, #tpu.memory_space<vmem>>, vector<1x128xf32>
    %get3A_734 = arith.index_cast %get3A_727 : i32 to index
    %get3A_735 = arith.constant 0 : index
    %get3A_736 = vector.load %arg6[%get3A_734, %get3A_735] : memref<1516x128xf32, #tpu.memory_space<vmem>>, vector<1x128xf32>
    %concatenate3A_737 = tpu.concatenate %get3A_730, %get3A_733, %get3A_736 in 1 : vector<1x128xf32>, vector<1x128xf32>, vector<1x128xf32> -> vector<1x384xf32>
    %broadcast_in_dim3A_738 = vector.shape_cast %concatenate3A_737 : vector<1x384xf32> to vector<1x384xf32>
    %broadcast_in_dim3A_739 = vector.broadcast %broadcast_in_dim3A_738 : vector<1x384xf32> to vector<200x384xf32>
    %swap3A_740 = arith.constant 24 : index
    %swap3A_741 = arith.constant 0 : index
    %swap3A_742 = arith.constant 0 : index
    %swap3A_743 = vector.load %arg7[%swap3A_740, %swap3A_741, %swap3A_742] : memref<32x200x384xf32, #tpu.memory_space<vmem>>, vector<1x200x384xf32>
    %swap3A_744 = vector.shape_cast %swap3A_743 : vector<1x200x384xf32> to vector<200x384xf32>
    %swap3A_745 = vector.shape_cast %broadcast_in_dim3A_739 : vector<200x384xf32> to vector<1x200x384xf32>
    tpu.vector_store %arg7[%swap3A_740, %swap3A_741, %swap3A_742], %swap3A_745 {strides = array<i32>} : memref<32x200x384xf32, #tpu.memory_space<vmem>>, vector<1x200x384xf32>,
    %add3A_746 = arith.constant 25 : i32
    %add3A_747 = arith.addi %mul3A_0, %add3A_746 : i32
    %get3A_748 = arith.index_cast %add3A_747 : i32 to index
    %get3A_749 = memref.load %arg1[%get3A_748] : memref<1024xi32, #tpu.memory_space<smem>>
    %add3A_750 = arith.constant 25 : i32
    %add3A_751 = arith.addi %mul3A_0, %add3A_750 : i32
    %get3A_752 = arith.index_cast %add3A_751 : i32 to index
    %get3A_753 = memref.load %arg2[%get3A_752] : memref<1024xi32, #tpu.memory_space<smem>>
    %add3A_754 = arith.constant 25 : i32
    %add3A_755 = arith.addi %mul3A_0, %add3A_754 : i32
    %get3A_756 = arith.index_cast %add3A_755 : i32 to index
    %get3A_757 = memref.load %arg3[%get3A_756] : memref<1024xi32, #tpu.memory_space<smem>>
    %get3A_758 = arith.index_cast %get3A_749 : i32 to index
    %get3A_759 = arith.constant 0 : index
    %get3A_760 = vector.load %arg4[%get3A_758, %get3A_759] : memref<6x128xf32, #tpu.memory_space<vmem>>, vector<1x128xf32>
    %get3A_761 = arith.index_cast %get3A_753 : i32 to index
    %get3A_762 = arith.constant 0 : index
    %get3A_763 = vector.load %arg5[%get3A_761, %get3A_762] : memref<44x128xf32, #tpu.memory_space<vmem>>, vector<1x128xf32>
    %get3A_764 = arith.index_cast %get3A_757 : i32 to index
    %get3A_765 = arith.constant 0 : index
    %get3A_766 = vector.load %arg6[%get3A_764, %get3A_765] : memref<1516x128xf32, #tpu.memory_space<vmem>>, vector<1x128xf32>
    %concatenate3A_767 = tpu.concatenate %get3A_760, %get3A_763, %get3A_766 in 1 : vector<1x128xf32>, vector<1x128xf32>, vector<1x128xf32> -> vector<1x384xf32>
    %broadcast_in_dim3A_768 = vector.shape_cast %concatenate3A_767 : vector<1x384xf32> to vector<1x384xf32>
    %broadcast_in_dim3A_769 = vector.broadcast %broadcast_in_dim3A_768 : vector<1x384xf32> to vector<200x384xf32>
    %swap3A_770 = arith.constant 25 : index
    %swap3A_771 = arith.constant 0 : index
    %swap3A_772 = arith.constant 0 : index
    %swap3A_773 = vector.load %arg7[%swap3A_770, %swap3A_771, %swap3A_772] : memref<32x200x384xf32, #tpu.memory_space<vmem>>, vector<1x200x384xf32>
    %swap3A_774 = vector.shape_cast %swap3A_773 : vector<1x200x384xf32> to vector<200x384xf32>
    %swap3A_775 = vector.shape_cast %broadcast_in_dim3A_769 : vector<200x384xf32> to vector<1x200x384xf32>
    tpu.vector_store %arg7[%swap3A_770, %swap3A_771, %swap3A_772], %swap3A_775 {strides = array<i32>} : memref<32x200x384xf32, #tpu.memory_space<vmem>>, vector<1x200x384xf32>,
    %add3A_776 = arith.constant 26 : i32
    %add3A_777 = arith.addi %mul3A_0, %add3A_776 : i32
    %get3A_778 = arith.index_cast %add3A_777 : i32 to index
    %get3A_779 = memref.load %arg1[%get3A_778] : memref<1024xi32, #tpu.memory_space<smem>>
    %add3A_780 = arith.constant 26 : i32
    %add3A_781 = arith.addi %mul3A_0, %add3A_780 : i32
    %get3A_782 = arith.index_cast %add3A_781 : i32 to index
    %get3A_783 = memref.load %arg2[%get3A_782] : memref<1024xi32, #tpu.memory_space<smem>>
    %add3A_784 = arith.constant 26 : i32
    %add3A_785 = arith.addi %mul3A_0, %add3A_784 : i32
    %get3A_786 = arith.index_cast %add3A_785 : i32 to index
    %get3A_787 = memref.load %arg3[%get3A_786] : memref<1024xi32, #tpu.memory_space<smem>>
    %get3A_788 = arith.index_cast %get3A_779 : i32 to index
    %get3A_789 = arith.constant 0 : index
    %get3A_790 = vector.load %arg4[%get3A_788, %get3A_789] : memref<6x128xf32, #tpu.memory_space<vmem>>, vector<1x128xf32>
    %get3A_791 = arith.index_cast %get3A_783 : i32 to index
    %get3A_792 = arith.constant 0 : index
    %get3A_793 = vector.load %arg5[%get3A_791, %get3A_792] : memref<44x128xf32, #tpu.memory_space<vmem>>, vector<1x128xf32>
    %get3A_794 = arith.index_cast %get3A_787 : i32 to index
    %get3A_795 = arith.constant 0 : index
    %get3A_796 = vector.load %arg6[%get3A_794, %get3A_795] : memref<1516x128xf32, #tpu.memory_space<vmem>>, vector<1x128xf32>
    %concatenate3A_797 = tpu.concatenate %get3A_790, %get3A_793, %get3A_796 in 1 : vector<1x128xf32>, vector<1x128xf32>, vector<1x128xf32> -> vector<1x384xf32>
    %broadcast_in_dim3A_798 = vector.shape_cast %concatenate3A_797 : vector<1x384xf32> to vector<1x384xf32>
    %broadcast_in_dim3A_799 = vector.broadcast %broadcast_in_dim3A_798 : vector<1x384xf32> to vector<200x384xf32>
    %swap3A_800 = arith.constant 26 : index
    %swap3A_801 = arith.constant 0 : index
    %swap3A_802 = arith.constant 0 : index
    %swap3A_803 = vector.load %arg7[%swap3A_800, %swap3A_801, %swap3A_802] : memref<32x200x384xf32, #tpu.memory_space<vmem>>, vector<1x200x384xf32>
    %swap3A_804 = vector.shape_cast %swap3A_803 : vector<1x200x384xf32> to vector<200x384xf32>
    %swap3A_805 = vector.shape_cast %broadcast_in_dim3A_799 : vector<200x384xf32> to vector<1x200x384xf32>
    tpu.vector_store %arg7[%swap3A_800, %swap3A_801, %swap3A_802], %swap3A_805 {strides = array<i32>} : memref<32x200x384xf32, #tpu.memory_space<vmem>>, vector<1x200x384xf32>,
    %add3A_806 = arith.constant 27 : i32
    %add3A_807 = arith.addi %mul3A_0, %add3A_806 : i32
    %get3A_808 = arith.index_cast %add3A_807 : i32 to index
    %get3A_809 = memref.load %arg1[%get3A_808] : memref<1024xi32, #tpu.memory_space<smem>>
    %add3A_810 = arith.constant 27 : i32
    %add3A_811 = arith.addi %mul3A_0, %add3A_810 : i32
    %get3A_812 = arith.index_cast %add3A_811 : i32 to index
    %get3A_813 = memref.load %arg2[%get3A_812] : memref<1024xi32, #tpu.memory_space<smem>>
    %add3A_814 = arith.constant 27 : i32
    %add3A_815 = arith.addi %mul3A_0, %add3A_814 : i32
    %get3A_816 = arith.index_cast %add3A_815 : i32 to index
    %get3A_817 = memref.load %arg3[%get3A_816] : memref<1024xi32, #tpu.memory_space<smem>>
    %get3A_818 = arith.index_cast %get3A_809 : i32 to index
    %get3A_819 = arith.constant 0 : index
    %get3A_820 = vector.load %arg4[%get3A_818, %get3A_819] : memref<6x128xf32, #tpu.memory_space<vmem>>, vector<1x128xf32>
    %get3A_821 = arith.index_cast %get3A_813 : i32 to index
    %get3A_822 = arith.constant 0 : index
    %get3A_823 = vector.load %arg5[%get3A_821, %get3A_822] : memref<44x128xf32, #tpu.memory_space<vmem>>, vector<1x128xf32>
    %get3A_824 = arith.index_cast %get3A_817 : i32 to index
    %get3A_825 = arith.constant 0 : index
    %get3A_826 = vector.load %arg6[%get3A_824, %get3A_825] : memref<1516x128xf32, #tpu.memory_space<vmem>>, vector<1x128xf32>
    %concatenate3A_827 = tpu.concatenate %get3A_820, %get3A_823, %get3A_826 in 1 : vector<1x128xf32>, vector<1x128xf32>, vector<1x128xf32> -> vector<1x384xf32>
    %broadcast_in_dim3A_828 = vector.shape_cast %concatenate3A_827 : vector<1x384xf32> to vector<1x384xf32>
    %broadcast_in_dim3A_829 = vector.broadcast %broadcast_in_dim3A_828 : vector<1x384xf32> to vector<200x384xf32>
    %swap3A_830 = arith.constant 27 : index
    %swap3A_831 = arith.constant 0 : index
    %swap3A_832 = arith.constant 0 : index
    %swap3A_833 = vector.load %arg7[%swap3A_830, %swap3A_831, %swap3A_832] : memref<32x200x384xf32, #tpu.memory_space<vmem>>, vector<1x200x384xf32>
    %swap3A_834 = vector.shape_cast %swap3A_833 : vector<1x200x384xf32> to vector<200x384xf32>
    %swap3A_835 = vector.shape_cast %broadcast_in_dim3A_829 : vector<200x384xf32> to vector<1x200x384xf32>
    tpu.vector_store %arg7[%swap3A_830, %swap3A_831, %swap3A_832], %swap3A_835 {strides = array<i32>} : memref<32x200x384xf32, #tpu.memory_space<vmem>>, vector<1x200x384xf32>,
    %add3A_836 = arith.constant 28 : i32
    %add3A_837 = arith.addi %mul3A_0, %add3A_836 : i32
    %get3A_838 = arith.index_cast %add3A_837 : i32 to index
    %get3A_839 = memref.load %arg1[%get3A_838] : memref<1024xi32, #tpu.memory_space<smem>>
    %add3A_840 = arith.constant 28 : i32
    %add3A_841 = arith.addi %mul3A_0, %add3A_840 : i32
    %get3A_842 = arith.index_cast %add3A_841 : i32 to index
    %get3A_843 = memref.load %arg2[%get3A_842] : memref<1024xi32, #tpu.memory_space<smem>>
    %add3A_844 = arith.constant 28 : i32
    %add3A_845 = arith.addi %mul3A_0, %add3A_844 : i32
    %get3A_846 = arith.index_cast %add3A_845 : i32 to index
    %get3A_847 = memref.load %arg3[%get3A_846] : memref<1024xi32, #tpu.memory_space<smem>>
    %get3A_848 = arith.index_cast %get3A_839 : i32 to index
    %get3A_849 = arith.constant 0 : index
    %get3A_850 = vector.load %arg4[%get3A_848, %get3A_849] : memref<6x128xf32, #tpu.memory_space<vmem>>, vector<1x128xf32>
    %get3A_851 = arith.index_cast %get3A_843 : i32 to index
    %get3A_852 = arith.constant 0 : index
    %get3A_853 = vector.load %arg5[%get3A_851, %get3A_852] : memref<44x128xf32, #tpu.memory_space<vmem>>, vector<1x128xf32>
    %get3A_854 = arith.index_cast %get3A_847 : i32 to index
    %get3A_855 = arith.constant 0 : index
    %get3A_856 = vector.load %arg6[%get3A_854, %get3A_855] : memref<1516x128xf32, #tpu.memory_space<vmem>>, vector<1x128xf32>
    %concatenate3A_857 = tpu.concatenate %get3A_850, %get3A_853, %get3A_856 in 1 : vector<1x128xf32>, vector<1x128xf32>, vector<1x128xf32> -> vector<1x384xf32>
    %broadcast_in_dim3A_858 = vector.shape_cast %concatenate3A_857 : vector<1x384xf32> to vector<1x384xf32>
    %broadcast_in_dim3A_859 = vector.broadcast %broadcast_in_dim3A_858 : vector<1x384xf32> to vector<200x384xf32>
    %swap3A_860 = arith.constant 28 : index
    %swap3A_861 = arith.constant 0 : index
    %swap3A_862 = arith.constant 0 : index
    %swap3A_863 = vector.load %arg7[%swap3A_860, %swap3A_861, %swap3A_862] : memref<32x200x384xf32, #tpu.memory_space<vmem>>, vector<1x200x384xf32>
    %swap3A_864 = vector.shape_cast %swap3A_863 : vector<1x200x384xf32> to vector<200x384xf32>
    %swap3A_865 = vector.shape_cast %broadcast_in_dim3A_859 : vector<200x384xf32> to vector<1x200x384xf32>
    tpu.vector_store %arg7[%swap3A_860, %swap3A_861, %swap3A_862], %swap3A_865 {strides = array<i32>} : memref<32x200x384xf32, #tpu.memory_space<vmem>>, vector<1x200x384xf32>,
    %add3A_866 = arith.constant 29 : i32
    %add3A_867 = arith.addi %mul3A_0, %add3A_866 : i32
    %get3A_868 = arith.index_cast %add3A_867 : i32 to index
    %get3A_869 = memref.load %arg1[%get3A_868] : memref<1024xi32, #tpu.memory_space<smem>>
    %add3A_870 = arith.constant 29 : i32
    %add3A_871 = arith.addi %mul3A_0, %add3A_870 : i32
    %get3A_872 = arith.index_cast %add3A_871 : i32 to index
    %get3A_873 = memref.load %arg2[%get3A_872] : memref<1024xi32, #tpu.memory_space<smem>>
    %add3A_874 = arith.constant 29 : i32
    %add3A_875 = arith.addi %mul3A_0, %add3A_874 : i32
    %get3A_876 = arith.index_cast %add3A_875 : i32 to index
    %get3A_877 = memref.load %arg3[%get3A_876] : memref<1024xi32, #tpu.memory_space<smem>>
    %get3A_878 = arith.index_cast %get3A_869 : i32 to index
    %get3A_879 = arith.constant 0 : index
    %get3A_880 = vector.load %arg4[%get3A_878, %get3A_879] : memref<6x128xf32, #tpu.memory_space<vmem>>, vector<1x128xf32>
    %get3A_881 = arith.index_cast %get3A_873 : i32 to index
    %get3A_882 = arith.constant 0 : index
    %get3A_883 = vector.load %arg5[%get3A_881, %get3A_882] : memref<44x128xf32, #tpu.memory_space<vmem>>, vector<1x128xf32>
    %get3A_884 = arith.index_cast %get3A_877 : i32 to index
    %get3A_885 = arith.constant 0 : index
    %get3A_886 = vector.load %arg6[%get3A_884, %get3A_885] : memref<1516x128xf32, #tpu.memory_space<vmem>>, vector<1x128xf32>
    %concatenate3A_887 = tpu.concatenate %get3A_880, %get3A_883, %get3A_886 in 1 : vector<1x128xf32>, vector<1x128xf32>, vector<1x128xf32> -> vector<1x384xf32>
    %broadcast_in_dim3A_888 = vector.shape_cast %concatenate3A_887 : vector<1x384xf32> to vector<1x384xf32>
    %broadcast_in_dim3A_889 = vector.broadcast %broadcast_in_dim3A_888 : vector<1x384xf32> to vector<200x384xf32>
    %swap3A_890 = arith.constant 29 : index
    %swap3A_891 = arith.constant 0 : index
    %swap3A_892 = arith.constant 0 : index
    %swap3A_893 = vector.load %arg7[%swap3A_890, %swap3A_891, %swap3A_892] : memref<32x200x384xf32, #tpu.memory_space<vmem>>, vector<1x200x384xf32>
    %swap3A_894 = vector.shape_cast %swap3A_893 : vector<1x200x384xf32> to vector<200x384xf32>
    %swap3A_895 = vector.shape_cast %broadcast_in_dim3A_889 : vector<200x384xf32> to vector<1x200x384xf32>
    tpu.vector_store %arg7[%swap3A_890, %swap3A_891, %swap3A_892], %swap3A_895 {strides = array<i32>} : memref<32x200x384xf32, #tpu.memory_space<vmem>>, vector<1x200x384xf32>,
    %add3A_896 = arith.constant 30 : i32
    %add3A_897 = arith.addi %mul3A_0, %add3A_896 : i32
    %get3A_898 = arith.index_cast %add3A_897 : i32 to index
    %get3A_899 = memref.load %arg1[%get3A_898] : memref<1024xi32, #tpu.memory_space<smem>>
    %add3A_900 = arith.constant 30 : i32
    %add3A_901 = arith.addi %mul3A_0, %add3A_900 : i32
    %get3A_902 = arith.index_cast %add3A_901 : i32 to index
    %get3A_903 = memref.load %arg2[%get3A_902] : memref<1024xi32, #tpu.memory_space<smem>>
    %add3A_904 = arith.constant 30 : i32
    %add3A_905 = arith.addi %mul3A_0, %add3A_904 : i32
    %get3A_906 = arith.index_cast %add3A_905 : i32 to index
    %get3A_907 = memref.load %arg3[%get3A_906] : memref<1024xi32, #tpu.memory_space<smem>>
    %get3A_908 = arith.index_cast %get3A_899 : i32 to index
    %get3A_909 = arith.constant 0 : index
    %get3A_910 = vector.load %arg4[%get3A_908, %get3A_909] : memref<6x128xf32, #tpu.memory_space<vmem>>, vector<1x128xf32>
    %get3A_911 = arith.index_cast %get3A_903 : i32 to index
    %get3A_912 = arith.constant 0 : index
    %get3A_913 = vector.load %arg5[%get3A_911, %get3A_912] : memref<44x128xf32, #tpu.memory_space<vmem>>, vector<1x128xf32>
    %get3A_914 = arith.index_cast %get3A_907 : i32 to index
    %get3A_915 = arith.constant 0 : index
    %get3A_916 = vector.load %arg6[%get3A_914, %get3A_915] : memref<1516x128xf32, #tpu.memory_space<vmem>>, vector<1x128xf32>
    %concatenate3A_917 = tpu.concatenate %get3A_910, %get3A_913, %get3A_916 in 1 : vector<1x128xf32>, vector<1x128xf32>, vector<1x128xf32> -> vector<1x384xf32>
    %broadcast_in_dim3A_918 = vector.shape_cast %concatenate3A_917 : vector<1x384xf32> to vector<1x384xf32>
    %broadcast_in_dim3A_919 = vector.broadcast %broadcast_in_dim3A_918 : vector<1x384xf32> to vector<200x384xf32>
    %swap3A_920 = arith.constant 30 : index
    %swap3A_921 = arith.constant 0 : index
    %swap3A_922 = arith.constant 0 : index
    %swap3A_923 = vector.load %arg7[%swap3A_920, %swap3A_921, %swap3A_922] : memref<32x200x384xf32, #tpu.memory_space<vmem>>, vector<1x200x384xf32>
    %swap3A_924 = vector.shape_cast %swap3A_923 : vector<1x200x384xf32> to vector<200x384xf32>
    %swap3A_925 = vector.shape_cast %broadcast_in_dim3A_919 : vector<200x384xf32> to vector<1x200x384xf32>
    tpu.vector_store %arg7[%swap3A_920, %swap3A_921, %swap3A_922], %swap3A_925 {strides = array<i32>} : memref<32x200x384xf32, #tpu.memory_space<vmem>>, vector<1x200x384xf32>,
    %add3A_926 = arith.constant 31 : i32
    %add3A_927 = arith.addi %mul3A_0, %add3A_926 : i32
    %get3A_928 = arith.index_cast %add3A_927 : i32 to index
    %get3A_929 = memref.load %arg1[%get3A_928] : memref<1024xi32, #tpu.memory_space<smem>>
    %add3A_930 = arith.constant 31 : i32
    %add3A_931 = arith.addi %mul3A_0, %add3A_930 : i32
    %get3A_932 = arith.index_cast %add3A_931 : i32 to index
    %get3A_933 = memref.load %arg2[%get3A_932] : memref<1024xi32, #tpu.memory_space<smem>>
    %add3A_934 = arith.constant 31 : i32
    %add3A_935 = arith.addi %mul3A_0, %add3A_934 : i32
    %get3A_936 = arith.index_cast %add3A_935 : i32 to index
    %get3A_937 = memref.load %arg3[%get3A_936] : memref<1024xi32, #tpu.memory_space<smem>>
    %get3A_938 = arith.index_cast %get3A_929 : i32 to index
    %get3A_939 = arith.constant 0 : index
    %get3A_940 = vector.load %arg4[%get3A_938, %get3A_939] : memref<6x128xf32, #tpu.memory_space<vmem>>, vector<1x128xf32>
    %get3A_941 = arith.index_cast %get3A_933 : i32 to index
    %get3A_942 = arith.constant 0 : index
    %get3A_943 = vector.load %arg5[%get3A_941, %get3A_942] : memref<44x128xf32, #tpu.memory_space<vmem>>, vector<1x128xf32>
    %get3A_944 = arith.index_cast %get3A_937 : i32 to index
    %get3A_945 = arith.constant 0 : index
    %get3A_946 = vector.load %arg6[%get3A_944, %get3A_945] : memref<1516x128xf32, #tpu.memory_space<vmem>>, vector<1x128xf32>
    %concatenate3A_947 = tpu.concatenate %get3A_940, %get3A_943, %get3A_946 in 1 : vector<1x128xf32>, vector<1x128xf32>, vector<1x128xf32> -> vector<1x384xf32>
    %broadcast_in_dim3A_948 = vector.shape_cast %concatenate3A_947 : vector<1x384xf32> to vector<1x384xf32>
    %broadcast_in_dim3A_949 = vector.broadcast %broadcast_in_dim3A_948 : vector<1x384xf32> to vector<200x384xf32>
    %swap3A_950 = arith.constant 31 : index
    %swap3A_951 = arith.constant 0 : index
    %swap3A_952 = arith.constant 0 : index
    %swap3A_953 = vector.load %arg7[%swap3A_950, %swap3A_951, %swap3A_952] : memref<32x200x384xf32, #tpu.memory_space<vmem>>, vector<1x200x384xf32>
    %swap3A_954 = vector.shape_cast %swap3A_953 : vector<1x200x384xf32> to vector<200x384xf32>
    %swap3A_955 = vector.shape_cast %broadcast_in_dim3A_949 : vector<200x384xf32> to vector<1x200x384xf32>
    tpu.vector_store %arg7[%swap3A_950, %swap3A_951, %swap3A_952], %swap3A_955 {strides = array<i32>} : memref<32x200x384xf32, #tpu.memory_space<vmem>>, vector<1x200x384xf32>,
    return
  }
  func.func @transform_0(%arg0: i32, %arg1: memref<1024xi32, #tpu.memory_space<smem>>, %arg2: memref<1024xi32, #tpu.memory_space<smem>>, %arg3: memref<1024xi32, #tpu.memory_space<smem>>) -> (i32, i32) {
    %c0_i32 = arith.constant 0 : i32
    %c0_i32_0 = arith.constant 0 : i32
    %c0_i32_1 = arith.constant 0 : i32
    return %c0_i32, %c0_i32_0 : i32, i32
  }
  func.func @transform_1(%arg0: i32, %arg1: memref<1024xi32, #tpu.memory_space<smem>>, %arg2: memref<1024xi32, #tpu.memory_space<smem>>, %arg3: memref<1024xi32, #tpu.memory_space<smem>>) -> (i32, i32) {
    %c0_i32 = arith.constant 0 : i32
    %c0_i32_0 = arith.constant 0 : i32
    %c0_i32_1 = arith.constant 0 : i32
    return %c0_i32, %c0_i32_0 : i32, i32
  }
  func.func @transform_2(%arg0: i32, %arg1: memref<1024xi32, #tpu.memory_space<smem>>, %arg2: memref<1024xi32, #tpu.memory_space<smem>>, %arg3: memref<1024xi32, #tpu.memory_space<smem>>) -> (i32, i32) {
    %c0_i32 = arith.constant 0 : i32
    %c0_i32_0 = arith.constant 0 : i32
    %c0_i32_1 = arith.constant 0 : i32
    return %c0_i32, %c0_i32_0 : i32, i32
  }
  func.func @transform_3(%arg0: i32, %arg1: memref<1024xi32, #tpu.memory_space<smem>>, %arg2: memref<1024xi32, #tpu.memory_space<smem>>, %arg3: memref<1024xi32, #tpu.memory_space<smem>>) -> (i32, i32, i32) {
    %c0_i32 = arith.constant 0 : i32
    %c0_i32_0 = arith.constant 0 : i32
    %c0_i32_1 = arith.constant 0 : i32
    return %arg0, %c0_i32, %c0_i32_0 : i32, i32, i32
  }
}

</mosaic_0001>

<sc_bundles>
// kernel: kernel.5.cloned.1.call-start
scs
__scs_entry_jumppad:
0x0: {  	(pc) =	sbr.rel $0x88, $3  }
0x1: {  	(tag) =	ssettag $0x0;
	lr =	simm.s32 $0x1  }
0x2: {  	[smem:$0x3F9B] =	sst lr;
	_ =	strace $0xD0000000  }
0x3: {  	_ = 	snop  }
0x4: {  	_ = 	snop  }
0x5: {  	_ = 	snop  }
0x6: {  	_ = 	snop  }
0x7: {  	_ = 	snop  }
__scs_overlays_trampoline_lowered:
0x8: {  	[smem:$0x3FAA] =	sst s0  }
0x9: {  	[smem:$0x3FAB] =	sst s1  }
0xa: {  	[smem:$0x3FAC] =	sst s2  }
0xb: {  	[smem:$0x3FAD] =	sst s3  }
0xc: {  	[smem:$0x3FAE] =	sst s4  }
0xd: {  	[smem:$0x3FAF] =	sst s5  }
0xe: {  	[smem:$0x3FB0] =	sst s6  }
0xf: {  	[smem:$0x3FB1] =	sst s7  }
0x10: {  	[smem:$0x3FB2] =	sst s8  }
0x11: {  	[smem:$0x3FB3] =	sst s9;
	s0 =	simm.s32 @!p0 $0x0  }
0x12: {  	s1 =	sld [smem:$0x3F99];
	s0 =	simm.s32 @p0 $0x1  }
0x13: {  	[smem:$0x3FB4] =	sst s0;
	s0 =	simm.s32 @!p1 $0x0  }
0x14: {  	s2 =	sld [smem:$0x3F98];
	s0 =	simm.s32 @p1 $0x1  }
0x15: {  	[smem:$0x3FB5] =	sst s0;
	s0 =	simm.s32 @!p2 $0x0  }
0x16: {  	s3 =	sld [smem:$0x3FDB];
	s0 =	simm.s32 @p2 $0x1  }
0x17: {  	s4 =	simm.s32 $0x1BF5;
	[smem:$0x3FB7] =	sst s0  }
0x18: {  	s0 =	sld [smem:$0x3F9A];
	_ =	swait.ge [sflag:s4], $0x0  }
0x19: {  	s7 =	sld [smem:$0x3F9B]  }
0x1a: {  	s8 =	sadd.s32 $0xFFFFE003, lr  }
0x1b: {  	s9 =	sadd.s32 $0xFFFFFEF7, lr;
	s5 =	simm.s32 $0xFFFFFFFF;
	p2 =	slt.u32 s8, $0xFFFFF086  }
0x1c: {  	p1 =	slt.u32 s9, $0xF7A;
	s5 =	simm.s32 @!p2 $0x0  }
0x1d: {  	s5 =	simm.s32 @p1 $0x1;
	p0 =	seq.s32 s7, s2  }
0x1e: {  	s7 =	smul.u32 @!p0 $0xF7A, s2;
	p2 =	seq.s32 @!p0 s5, $0x0  }
0x1f: {  	s9 =	smul.u32 $0xF7A, s1;
	s8 =	simm.s32 @!p0 $0x1BF5;
	p2 =	por !p2, p0  }
0x20: {  	[sflag:s8] =	ssyncset.s32 @!p0 $0xFFFFF086;
	s6 =	sadd.s32 @!p0 s3, s7;
	s7 =	simm.s32 @!p0 $0x108  }
0x21: {  	s3 =	sadd.s32 s3, s9;
	s6 =	sadd.s32 @!p0 $0x88, s6;
	s7 =	simm.s32 @p2 $0x1082  }
0x22: {  	[simem:s7], [sflag:s8] =	dma.local @!p0 [hbm:s6], $0xF7A  }
0x23: {  	s9 =	sor.u32 $0xD0000000, s2;
	s6 =	simm.s32 $0x108;
	_ =	swait.ge @!p0 [sflag:s8], $0x0  }
0x24: {  	s3 =	sadd.s32 $0x88, s3;
	s6 =	simm.s32 @!p1 $0x1082;
	[sflag:s4] =	ssyncset.s32 $0xFFFFF086  }
0x25: {  	[simem:s6], [sflag:s4] =	dma.local [hbm:s3], $0xF7A  }
0x26: {  	[smem:$0x3F9B] =	sst s1;
	(tag) =	ssettag s2;
	_ =	strace s9  }
0x27: {  	s1 =	sld [smem:$0x3FAB]  }
0x28: {  	s2 =	sld [smem:$0x3FAC]  }
0x29: {  	s4 =	sld [smem:$0x3FAE]  }
0x2a: {  	p0 =	seq.s32 s5, $0x0;
	s5 =	sld [smem:$0x3FAF]  }
0x2b: {  	s6 =	sld [smem:$0x3FB0]  }
0x2c: {  	s7 =	sld [smem:$0x3FB1]  }
0x2d: {  	s3 =	simm.s32 $0x108;
	s8 =	sld [smem:$0x3FB2]  }
0x2e: {  	s3 =	simm.s32 @!p0 $0x1082;
	s9 =	sld [smem:$0x3FB3]  }
0x2f: {  	lr =	sadd.s32 s0, s3;
	s0 =	sld [smem:$0x3FAA]  }
0x30: {  	s3 =	sld [smem:$0x3FAD]  }
0x31: {  	[smem:$0x3FB6] =	sst s10  }
0x32: {  	s10 =	sld [smem:$0x3FB4];
	_ =	sdelay $0x3  }
0x33: {  	p0 =	seq.s32 s10, $0x1;
	s10 =	sld [smem:$0x3FB6];
	_ =	sdelay $0x3  }
0x34: {  	[smem:$0x3FB6] =	sst s10  }
0x35: {  	s10 =	sld [smem:$0x3FB5];
	_ =	sdelay $0x3  }
0x36: {  	p1 =	seq.s32 s10, $0x1;
	s10 =	sld [smem:$0x3FB6];
	_ =	sdelay $0x3  }
0x37: {  	[smem:$0x3FB6] =	sst s10  }
0x38: {  	s10 =	sld [smem:$0x3FB7]  }
0x39: {  	_ = 	snop;
	(pc) =	sbr.ind lr, $3  }
0x3a: {  	_ = 	snop  }
0x3b: {  	_ = 	snop  }
0x3c: {  	p2 =	seq.s32 s10, $0x1;
	s10 =	sld [smem:$0x3FB6]  }
0x3d: {  	_ =	shalt  }
0x3e: {  	_ =	shalt  }
0x3f: {  	_ =	shalt  }
0x40: {  	_ =	shalt  }
0x41: {  	_ =	shalt  }
0x42: {  	_ =	shalt  }
0x43: {  	_ =	shalt  }
0x44: {  	_ =	shalt  }
0x45: {  	_ =	shalt  }
0x46: {  	_ =	shalt  }
0x47: {  	_ =	shalt  }
0x48: {  	_ =	shalt  }
0x49: {  	_ =	shalt  }
0x4a: {  	_ =	shalt  }
0x4b: {  	_ =	shalt  }
0x4c: {  	_ =	shalt  }
0x4d: {  	_ =	shalt  }
0x4e: {  	_ =	shalt  }
0x4f: {  	_ =	shalt  }
0x50: {  	_ =	shalt  }
0x51: {  	_ =	shalt  }
0x52: {  	_ =	shalt  }
0x53: {  	_ =	shalt  }
0x54: {  	_ =	shalt  }
0x55: {  	_ =	shalt  }
0x56: {  	_ =	shalt  }
0x57: {  	_ =	shalt  }
0x58: {  	_ =	shalt  }
0x59: {  	_ =	shalt  }
0x5a: {  	_ =	shalt  }
0x5b: {  	_ =	shalt  }
0x5c: {  	_ =	shalt  }
0x5d: {  	_ =	shalt  }
0x5e: {  	_ =	shalt  }
0x5f: {  	_ =	shalt  }
0x60: {  	_ =	shalt  }
0x61: {  	_ =	shalt  }
0x62: {  	_ =	shalt  }
0x63: {  	_ =	shalt  }
0x64: {  	_ =	shalt  }
0x65: {  	_ =	shalt  }
0x66: {  	_ =	shalt  }
0x67: {  	_ =	shalt  }
0x68: {  	_ =	shalt  }
0x69: {  	_ =	shalt  }
0x6a: {  	_ =	shalt  }
0x6b: {  	_ =	shalt  }
0x6c: {  	_ =	shalt  }
0x6d: {  	_ =	shalt  }
0x6e: {  	_ =	shalt  }
0x6f: {  	_ =	shalt  }
0x70: {  	_ =	shalt  }
0x71: {  	_ =	shalt  }
0x72: {  	_ =	shalt  }
0x73: {  	_ =	shalt  }
0x74: {  	_ =	shalt  }
0x75: {  	_ =	shalt  }
0x76: {  	_ =	shalt  }
0x77: {  	_ =	shalt  }
0x78: {  	_ =	shalt  }
0x79: {  	_ =	shalt  }
0x7a: {  	_ =	shalt  }
0x7b: {  	_ =	shalt  }
0x7c: {  	_ =	shalt  }
0x7d: {  	_ =	shalt  }
0x7e: {  	_ =	shalt  }
0x7f: {  	_ =	shalt  }
0x80: {  	_ =	shalt  }
0x81: {  	_ =	shalt  }
0x82: {  	_ =	shalt  }
0x83: {  	_ =	shalt  }
0x84: {  	_ =	shalt  }
0x85: {  	_ =	shalt  }
0x86: {  	_ =	shalt  }
0x87: {  	_ =	shalt  }
.Lfunc_end0:
.L_simem_size_0:
called_computation_lowered:
.L_overlay_start_0:
0x88: {  	s2 =	sld [smem:$0x3FD9]  }
0x89: {  	s3 =	sld [smem:$0x3FFE];
	_ =	sdelay $0x1  }
0x8a: {  	s1 =	srdreg.scid  }
0x8b: {  	s0 =	sand.u32 $0x1, s1  }
0x8c: {  	s17 =	sshll.u32 s0, $0xA;
	s2 =	sadd.s32 s3, s2  }
0x8d: {  	s2 =	sadd.s32 s2, s17  }
0x8e: {  	[smem:$0x3FC2] =	sst s2  }
0x8f: {  	_ = 	snop  }
0x90: {  	s2 =	sld [smem:$0x3FC9]  }
0x91: {  	s18 =	sld [smem:$0x3FC8]  }
0x92: {  	s4 =	sld [smem:$0x3FC7]  }
0x93: {  	s5 =	sld [smem:$0x3FC6]  }
0x94: {  	s6 =	sld [smem:$0x3FC5]  }
0x95: {  	s7 =	sld [smem:$0x3FC4];
	(tm) =	ssettm $0x1  }
0x96: {  	s8 =	sld [smem:$0x3FFB];
	_ =	sdelay $0x3  }
0x97: {  	_ =	strace s8  }
0x98: {  	s8 =	sld [smem:$0x3FFC];
	_ =	sdelay $0x3  }
0x99: {  	_ =	strace s8  }
0x9a: {  	s8 =	sld [smem:$0x3FFD];
	_ =	sdelay $0x3  }
0x9b: {  	_ =	strace s8  }
0x9c: {  	_ =	strace $0x8FFFFFFF  }
0x9d: {  	s19 =	sld [smem:$0x3FDB];
	_ =	sdelay $0x1  }
0x9e: {  	s9 =	simm.s32 $_scs_section_size  }
0x9f: {  	s10 =	simm.s32 $_size__tile_overlayer_lowered;
	s11 =	simm.s32 $_tile_overlayer_lowered  }
0xa0: {  	s22 =	simm.s32 $0x1BFF;
	s21 =	sshll.u32 s11, $0x1;
	s8 =	sadd.s32 s9, s19  }
0xa1: {  	s12 =	simm.s32 $0x0;
	s20 =	sshll.u32 s10, $0x1;
	s10 =	sadd.s32 s21, s8  }
0xa2: {  	[timem:s12], [sflag:s22] =	dma.local [hbm:s10], s20  }
0xa3: {  	_ =	swait.ge [sflag:s22], s20  }
0xa4: {  	s9 =	ssub.s32 $0x0, s20;
	[sflag:s22] =	ssyncset.done $0x0  }
0xa5: {  	[sflag:s22] =	ssyncadd.s32 s9;
	_ =	sdelay $0x1  }
0xa6: {  	s23 =	simm.s32 $0x1B8B  }
0xa7: {  	_ =	swait.ge [sflag:s23], $0x1  }
0xa8: {  	[sflag:s23] =	ssyncset.done $0x0  }
0xa9: {  	s25 =	simm.s32 $0x1B8E;
	s24 =	sld [smem:$0x3FFE];
	[sflag:s23] =	ssyncadd.s32 $0xFFFFFFFF  }
0xaa: {  	s26 =	simm.s32 $execute0_lowered;
	[smem:$0x3FD2] =	sst s25  }
0xab: {  	s10 =	sshll.u32 s26, $0x1;
	_ =	strace $0x80000046;
	[dreg:$0x1] =	wrdreg $0xFFFFFFFF  }
0xac: {  	s28 =	simm.s32 $_size_execute0_lowered;
	s8 =	sadd.s32 s8, s10;
	[dreg:$0x0] =	wrdreg $0x0  }
0xad: {  	s10 =	sshll.u32 s28, $0x1;
	[dreg:$0x2] =	wrdreg s8  }
0xae: {  	[dreg:$0x3] =	wrdreg s10  }
0xaf: {  	[dreg:$0x4] =	wrdreg $0xC0  }
0xb0: {  	_ =	task [dreg:s12], $0x5FFFF  }
0xb1: {  	[dreg:$0x1] =	wrdreg $0xFFFFFFFF  }
0xb2: {  	[dreg:$0x0] =	wrdreg $0x60  }
0xb3: {  	[dreg:$0x2] =	wrdreg s2  }
0xb4: {  	[dreg:$0x3] =	wrdreg s18  }
0xb5: {  	[dreg:$0x4] =	wrdreg s4  }
0xb6: {  	[dreg:$0x5] =	wrdreg s5  }
0xb7: {  	[dreg:$0x6] =	wrdreg s6  }
0xb8: {  	[dreg:$0x7] =	wrdreg s7  }
0xb9: {  	[dreg:$0x8] =	wrdreg s24  }
0xba: {  	[dreg:$0x9] =	wrdreg $0x9  }
0xbb: {  	_ =	task.clear_ibuf [dreg:s12], $0xAFFFF;
	_ =	strace $0x90000046  }
0xbc: {  	s29 =	simm.s32 $0x9;
	_ =	strace $0x80000048  }
0xbd: {  	_ =	swait.ge [sflag:s29], $0x1  }
0xbe: {  	[sflag:s29] =	ssyncadd.s32 $0xFFFFFFFF  }
0xbf: {  	_ =	strace $0x90000048  }
0xc0: {  	_ =	sfence  }
0xc1: {  	s30 =	sld [smem:$0x0];
	_ =	sdelay $0x2  }
0xc2: {  	s31 =	sshll.u32 s1, $0xD;
	s1 =	sshrl.u32 s1, $0x2  }
0xc3: {  	s3 =	sand.u32 $0x4000, s31;
	s1 =	sadd.s32 s1, s30  }
0xc4: {  	s0 =	sor.u32 s3, s0;
	s1 =	sshll.u32 s1, $0x11  }
0xc5: {  	s0 =	sor.u32 s1, s0  }
0xc6: {  	s0 =	sadd.s32 $0x8F2B, s0  }
0xc7: {  	[sflag:s0] =	ssyncadd.remote.s32 $0x1  }
0xc8: {  	_ =	sfence.sel $0xFFFF  }
0xc9: {  	[dreg:$0x0] =	wrdreg $0xFFFFFFFF;
	(pc) =	sbr.abs _section_cstart, $3  }
0xca: {  	[dreg:$0x1] =	wrdreg $0xFFFFFFFF  }
0xcb: {  	_ =	task.clear_ibuf [dreg:s12], $0x2FFFF;
	_ =	strace $0x9FFFFFFF  }
0xcc: {  	(tm) =	ssettm $0x7FFFFFFF  }
0xcd: {  	_ =	shalt  }
tec
execute0_lowered:
.L_overlay_start_1:
0x0: {  	(tag) =	ssettag $0x1  }
0x1: {  	s6 =	rddreg [dreg:$0x0]  }
0x2: {  	s8 =	rddreg [dreg:$0x1]  }
0x3: {  	s10 =	rddreg [dreg:$0x2]  }
0x4: {  	s1 =	rddreg [dreg:$0x3]  }
0x5: {  	s3 =	rddreg [dreg:$0x4]  }
0x6: {  	s4 =	rddreg [dreg:$0x5]  }
0x7: {  	s2 =	srdreg.scid;
	s0 =	stileid.u32  }
0x8: {  	s17 =	rddreg [dreg:$0x6];
	s21 =	sand.u32 $0x1, s2;
	s7 =	sshll.u32 s0, $0x1  }
0x9: {  	s5 =	simm.s32 $0x0;
	s2 =	rddreg [dreg:$0x7];
	s18 =	sor.u32 s21, s7  }
0xa: {  	[smem:$0x7FF] =	sst s5;
	s11 =	sor.u32 $0x60, s18  }
0xb: {  	_ =	strace $0x80000047;
	s7 =	simm.s32 $0x3;
	s6 =	sadd.s32 s6, s11  }
0xc: {  	[tilespmem:s5], [sflag:$0x3] =	stream.linear.gather [hbm4b:s6+s5], $0x8, $0x38;
	[tilespmem:$0xD80] =	vst v63  }
0xd: {  	_ =	swait.ge [sflag:s7], $0x8  }
0xe: {  	[sflag:s7] =	ssyncset.done $0x0  }
0xf: {  	s9 =	simm.s32 $0x80;
	s8 =	sadd.s32 s8, s11;
	[sflag:s7] =	ssyncadd.s32 $0xFFFFFFF8  }
0x10: {  	[tilespmem:s9], [sflag:$0x3] =	stream.linear.gather [hbm4b:s8+s5], $0x8, $0x38;
	[tilespmem:$0xD80] =	vst v63  }
0x11: {  	_ =	swait.ge [sflag:s7], $0x8  }
0x12: {  	[sflag:s7] =	ssyncset.done $0x0  }
0x13: {  	s10 =	sadd.s32 s10, s11;
	s11 =	simm.s32 $0x100;
	[sflag:s7] =	ssyncadd.s32 $0xFFFFFFF8  }
0x14: {  	[tilespmem:s11], [sflag:$0x3] =	stream.linear.gather [hbm4b:s10+s5], $0x8, $0x38;
	[tilespmem:$0xD80] =	vst v63  }
0x15: {  	_ =	swait.ge [sflag:s7], $0x8  }
0x16: {  	[sflag:s7] =	ssyncset.done $0x0  }
0x17: {  	s12 =	simm.s32 $0x8;
	s13 =	simm.s32 $0x180;
	[sflag:s7] =	ssyncadd.s32 $0xFFFFFFF8  }
0x18: {  	[tilespmem:s13], [sflag:$0x1] =	stream.indirect.gather [hbm4b:s1+s12], $0x80, s5, s12, $0xb8;
	[tilespmem:$0xD80] =	vst v63  }
0x19: {  	s14 =	simm.s32 $0x580  }
0x1a: {  	[tilespmem:s14], [sflag:$0x1] =	stream.indirect.gather [hbm4b:s3+s12], $0x80, s9, s12, $0xb8;
	[tilespmem:$0xD80] =	vst v63  }
0x1b: {  	s15 =	simm.s32 $0x980;
	s16 =	simm.s32 $0x1  }
0x1c: {  	[tilespmem:s15], [sflag:$0x1] =	stream.indirect.gather [hbm4b:s4+s12], $0x80, s11, s12, $0xb8;
	[tilespmem:$0xD80] =	vst v63  }
0x1d: {  	_ =	swait.ge [sflag:s16], $0x400  }
0x1e: {  	[sflag:s16] =	ssyncset.done $0x0  }
0x1f: {  	[sflag:s16] =	ssyncadd.s32 $0xFFFFFC00  }
0x20: {  	_ =	swait.ge [sflag:s16], $0x400  }
0x21: {  	s18 =	smul.u32 $0xC00, s18;
	[sflag:s16] =	ssyncset.done $0x0  }
0x22: {  	[sflag:s16] =	ssyncadd.s32 $0xFFFFFC00  }
0x23: {  	s18 =	sshrl.u32 s18, $0x3;
	_ =	swait.ge [sflag:s16], $0x400  }
0x24: {  	s19 =	sadd.s32 s18, s17;
	[sflag:s16] =	ssyncset.done $0x0  }
0x25: {  	s17 =	sadd.s32 $0x1200, s19;
	[sflag:s16] =	ssyncadd.s32 $0xFFFFFC00  }
0x26: {  	[hbm4b:s17+s5] =	stream.linear.scatter [tilespmem:s13], [sflag:$0x2], $0x400, $0x38;
	[tilespmem:$0xD80] =	vst v63  }
0x27: {  	s21 =	ssub.s32 $0x2, s21;
	s18 =	sadd.s32 $0x1280, s19  }
0x28: {  	[hbm4b:s18+s5] =	stream.linear.scatter [tilespmem:s14], [sflag:$0x2], $0x400, $0x38;
	[tilespmem:$0xD80] =	vst v63  }
0x29: {  	s22 =	sshrl.u32 s21, $0x1;
	s20 =	sadd.s32 $0x1300, s19;
	s19 =	simm.s32 $0x2  }
0x2a: {  	[hbm4b:s20+s5] =	stream.linear.scatter [tilespmem:s15], [sflag:$0x2], $0x400, $0x38;
	[tilespmem:$0xD80] =	vst v63  }
0x2b: {  	s21 =	ssub.s32 s21, s22;
	_ =	swait.ge [sflag:s19], $0x400  }
0x2c: {  	s21 =	smax.u32 s21, $0x1;
	[sflag:s19] =	ssyncset.done $0x0  }
0x2d: {  	p0 =	sne.s32 s21, $0x1;
	[sflag:s19] =	ssyncadd.s32 $0xFFFFFC00  }
.Ltmp0:
0x2e: {  	_ =	swait.ge [sflag:s19], $0x400;
	(pc) =	sbr.rel @!p0 .LBB2_2-.Ltmp0, $4  }
0x2f: {  	[sflag:s19] =	ssyncset.done $0x0  }
0x30: {  	[sflag:s19] =	ssyncadd.s32 $0xFFFFFC00  }
0x31: {  	_ =	swait.ge [sflag:s19], $0x400  }
0x32: {  	s21 =	sadd.s32 $0xFFFFFFFF, s21;
	[sflag:s19] =	ssyncset.done $0x0  }
.LBB2_1:
0x33: {  	p0 =	sne.s32 s21, $0x1;
	s21 =	sadd.s32 $0xFFFFFFFF, s21;
	[sflag:s19] =	ssyncadd.s32 $0xFFFFFC00  }
0x34: {  	[tilespmem:s5], [sflag:$0x3] =	stream.linear.gather [hbm4b:s6+s5], $0x8, $0x38;
	[tilespmem:$0xD80] =	vst v63  }
0x35: {  	_ =	swait.ge [sflag:s7], $0x8  }
0x36: {  	[sflag:s7] =	ssyncset.done $0x0  }
0x37: {  	[sflag:s7] =	ssyncadd.s32 $0xFFFFFFF8  }
0x38: {  	[tilespmem:s9], [sflag:$0x3] =	stream.linear.gather [hbm4b:s8+s5], $0x8, $0x38;
	[tilespmem:$0xD80] =	vst v63  }
0x39: {  	_ =	swait.ge [sflag:s7], $0x8  }
0x3a: {  	[sflag:s7] =	ssyncset.done $0x0  }
0x3b: {  	[sflag:s7] =	ssyncadd.s32 $0xFFFFFFF8  }
0x3c: {  	[tilespmem:s11], [sflag:$0x3] =	stream.linear.gather [hbm4b:s10+s5], $0x8, $0x38;
	[tilespmem:$0xD80] =	vst v63  }
0x3d: {  	_ =	swait.ge [sflag:s7], $0x8  }
0x3e: {  	[sflag:s7] =	ssyncset.done $0x0  }
0x3f: {  	[sflag:s7] =	ssyncadd.s32 $0xFFFFFFF8  }
0x40: {  	[tilespmem:s13], [sflag:$0x1] =	stream.indirect.gather [hbm4b:s1+s12], $0x80, s5, s12, $0xb8;
	[tilespmem:$0xD80] =	vst v63  }
0x41: {  	_ = 	snop  }
0x42: {  	[tilespmem:s14], [sflag:$0x1] =	stream.indirect.gather [hbm4b:s3+s12], $0x80, s9, s12, $0xb8;
	[tilespmem:$0xD80] =	vst v63  }
0x43: {  	_ = 	snop  }
0x44: {  	[tilespmem:s15], [sflag:$0x1] =	stream.indirect.gather [hbm4b:s4+s12], $0x80, s11, s12, $0xb8;
	[tilespmem:$0xD80] =	vst v63  }
0x45: {  	_ =	swait.ge [sflag:s16], $0x400  }
0x46: {  	[sflag:s16] =	ssyncset.done $0x0  }
0x47: {  	[sflag:s16] =	ssyncadd.s32 $0xFFFFFC00  }
0x48: {  	_ =	swait.ge [sflag:s16], $0x400  }
0x49: {  	[sflag:s16] =	ssyncset.done $0x0  }
0x4a: {  	[sflag:s16] =	ssyncadd.s32 $0xFFFFFC00  }
0x4b: {  	_ =	swait.ge [sflag:s16], $0x400  }
0x4c: {  	[sflag:s16] =	ssyncset.done $0x0  }
0x4d: {  	[sflag:s16] =	ssyncadd.s32 $0xFFFFFC00  }
0x4e: {  	[hbm4b:s17+s5] =	stream.linear.scatter [tilespmem:s13], [sflag:$0x2], $0x400, $0x38;
	[tilespmem:$0xD80] =	vst v63  }
0x4f: {  	_ = 	snop  }
0x50: {  	[hbm4b:s18+s5] =	stream.linear.scatter [tilespmem:s14], [sflag:$0x2], $0x400, $0x38;
	[tilespmem:$0xD80] =	vst v63  }
0x51: {  	_ = 	snop  }
0x52: {  	[hbm4b:s20+s5] =	stream.linear.scatter [tilespmem:s15], [sflag:$0x2], $0x400, $0x38;
	[tilespmem:$0xD80] =	vst v63  }
0x53: {  	_ =	swait.ge [sflag:s19], $0x400  }
0x54: {  	[sflag:s19] =	ssyncset.done $0x0  }
0x55: {  	[sflag:s19] =	ssyncadd.s32 $0xFFFFFC00  }
.Ltmp1:
0x56: {  	_ =	swait.ge [sflag:s19], $0x400;
	(pc) =	sbr.rel @p0 .LBB2_1-.Ltmp1, $4  }
0x57: {  	[sflag:s19] =	ssyncset.done $0x0  }
0x58: {  	[sflag:s19] =	ssyncadd.s32 $0xFFFFFC00  }
0x59: {  	_ =	swait.ge [sflag:s19], $0x400  }
0x5a: {  	[sflag:s19] =	ssyncset.done $0x0  }
.LBB2_2:
0x5b: {  	[sflag:s19] =	ssyncadd.s32 $0xFFFFFC00  }
0x5c: {  	_ =	sfence.sel $0x180000  }
0x5d: {  	[bflag:$0x0] =	sbarrier.arrive $0xFFFF  }
0x5e: {  	p0 =	sne.s32 s0, $0x0;
	_ =	strace $0x90000047  }
0x5f: {  	s0 =	sadd.s32 @!p0 $0x100000, s2;
	[bflag:$0x2] =	sbarrier.arrive $0xFFFF  }
0x60: {  	[sflag:s0] =	ssyncadd.tile.s32 @!p0 $0x1;
	_ =	shalt  }
.Lfunc_end2:
_tile_overlayer_lowered:
.L_overlay_start_2:
0x61: {  	(tag) =	ssettag $0x2  }
0x62: {  	s0 =	rddreg [dreg:$0x0];
	s2 =	stileid.u32  }
0x63: {  	s1 =	rddreg [dreg:$0x1];
	p0 =	sne.s32 s2, $0x0  }
0x64: {  	s3 =	rddreg [dreg:$0x2];
	[bflag:$0x3] =	sbarrier.arrive $0xFFFF;
	s2 =	simm.s32 @!p0 $0x1C03  }
0x65: {  	[timem:s3], [sflag:s2] =	dma.local @!p0 [hbm:s0], s1  }
0x66: {  	s0 =	simm.s32 @!p0 $0x3  }
0x67: {  	_ =	swait.ge @!p0 [sflag:s0], s1  }
0x68: {  	s1 =	ssub.s32 @!p0 $0x0, s1;
	[sflag:s0] =	ssyncset.done @!p0 $0x0  }
0x69: {  	[sflag:s0] =	ssyncadd.s32 @!p0 s1  }
0x6a: {  	[bflag:$0x3] =	sbarrier.arrive $0xFFFF  }
0x6b: {  	_ =	shalt  }

</sc_bundles>
